<compile_context>
chip_gen: v7x
topology: tpu7x:2x2x1
jax: 0.10.2.dev20260603
libtpu: 0.0.44.dev20260713+nightly
codegen_flags: <defaults>
</compile_context>

<pallas_src>
import functools

import jax
import jax.numpy as jnp
from jax import lax
from jax.experimental import pallas as pl
from jax.experimental.pallas import tpu as pltpu
from jax.experimental.pallas import tpu_sc as plsc

D = 32
_INV_SQRT_D = 1.0 / (32.0 ** 0.5)


_T = 2048


def _attn_body(h_ref, wq_ref, wk_ref, a_ref):
    hb = h_ref[...]
    hT = hb.T
    qT = jnp.dot(wq_ref[...], hT, preferred_element_type=jnp.float32)
    kT = jnp.dot(wk_ref[...], hT,
                 preferred_element_type=jnp.float32) * _INV_SQRT_D
    e3 = jnp.exp(qT[:, None, :] * kT[None, :, :])
    denom = jnp.sum(e3, axis=0)
    gT = hT / denom
    aT = jnp.sum(e3 * gT[None, :, :], axis=1)
    a_ref[...] = aT.T


def _node_attention(h_pad, wq, wk):
    grid = (h_pad.shape[0] + _T - 1) // _T
    n_pad = grid * _T
    return pl.pallas_call(
        _attn_body,
        grid=(grid,),
        in_specs=[
            pl.BlockSpec((_T, D), lambda i: (i, 0)),
            pl.BlockSpec((D, D), lambda i: (0, 0)),
            pl.BlockSpec((D, D), lambda i: (0, 0)),
        ],
        out_specs=pl.BlockSpec((_T, D), lambda i: (i, 0)),
        out_shape=jax.ShapeDtypeStruct((n_pad, D), jnp.float32),
        compiler_params=pltpu.CompilerParams(
            dimension_semantics=("arbitrary",)),
    )(h_pad, wq, wk)



_CH = 128
_NW = 32
_NSUB = 16
_CW = 16


_NBUF = 4


def _edge_kernel(n_acc, n_chunks):
    rpt = n_acc // _NSUB
    epw = n_chunks * _CH
    n_grp = n_chunks // _NBUF
    mesh = plsc.VectorSubcoreMesh(core_axis_name="c", subcore_axis_name="s")

    @functools.partial(
        pl.kernel,
        out_type=[
            jax.ShapeDtypeStruct((2, n_acc, D), jnp.float32),
            jax.ShapeDtypeStruct((2, n_acc, _CW), jnp.float32),
        ],
        mesh=mesh,
        scratch_types=[
            pltpu.VMEM((epw,), jnp.int32),
            pltpu.VMEM((epw,), jnp.int32),
            [pltpu.VMEM((_CH, D), jnp.float32)] * _NBUF,
            pltpu.VMEM((_CH, _CW), jnp.float32),
            pltpu.VMEM_SHARED((n_acc, D), jnp.float32),
            pltpu.VMEM_SHARED((n_acc, _CW), jnp.float32),
            [pltpu.SemaphoreType.DMA] * _NBUF,
            [pltpu.SemaphoreType.DMA] * _NBUF,
            [pltpu.SemaphoreType.DMA] * _NBUF,
        ],
        compiler_params=pltpu.CompilerParams(use_tc_tiling_on_sc=False,
                                            skip_device_barrier=True),
    )
    def edge(a_hbm, ei_hbm, zsum_hbm, zcnt_hbm, ones_hbm,
             psum_hbm, pcnt_hbm,
             src_v, dst_v, rows, ones_v, ssum, scnt, gsem, ssem, csem):
        cid = lax.axis_index("c")
        sid = lax.axis_index("s")
        wid = cid * _NSUB + sid
        row0 = sid * rpt
        c1 = pltpu.async_copy(zsum_hbm.at[pl.ds(row0, rpt)],
                              ssum.at[pl.ds(row0, rpt)], ssem[0])
        c2 = pltpu.async_copy(zcnt_hbm.at[pl.ds(row0, rpt)],
                              scnt.at[pl.ds(row0, rpt)], csem[0])
        c3 = pltpu.async_copy(ones_hbm, ones_v, csem[1])
        c4 = pltpu.async_copy(ei_hbm.at[0, pl.ds(wid * epw, epw)], src_v,
                              gsem[0])
        c5 = pltpu.async_copy(ei_hbm.at[1, pl.ds(wid * epw, epw)], dst_v,
                              gsem[1])
        c1.wait()
        c2.wait()
        c3.wait()
        c4.wait()
        c5.wait()
        plsc.subcore_barrier()

        def _gather(c, b):
            pltpu.async_copy(a_hbm.at[src_v.at[pl.ds(c * _CH, _CH)]],
                             rows[b], gsem[b])

        def _scatter(c, b):
            dix = dst_v.at[pl.ds(c * _CH, _CH)]
            pltpu.async_copy(rows[b], ssum.at[dix], ssem[b], add=True)
            pltpu.async_copy(ones_v, scnt.at[dix], csem[b], add=True)

        def _wait(buf, sem):
            if buf is ones_v:
                pltpu.make_async_copy(ones_hbm, buf, sem).wait()
            else:
                pltpu.make_async_copy(a_hbm.at[src_v.at[pl.ds(0, _CH)]],
                                      buf, sem).wait()

        for b in range(_NBUF):
            _gather(b, b)

        def group(i, carry):
            c0 = i * _NBUF
            for b in range(_NBUF):
                _wait(rows[b], gsem[b])
                _scatter(c0 + b, b)
            for b in range(_NBUF):
                _wait(rows[b], ssem[b])
                _wait(ones_v, csem[b])

                @pl.when(i + 1 < n_grp)
                def _():
                    _gather(c0 + _NBUF + b, b)
            return carry

        lax.fori_loop(0, n_grp, group, 0)
        c0 = n_grp * _NBUF
        n_rem = n_chunks - c0
        for b in range(n_rem):
            _gather(c0 + b, b)
        for b in range(n_rem):
            _wait(rows[b], gsem[b])
            _scatter(c0 + b, b)
        for b in range(n_rem):
            _wait(rows[b], ssem[b])
            _wait(ones_v, csem[b])
        plsc.subcore_barrier()
        pltpu.sync_copy(ssum.at[pl.ds(row0, rpt)],
                        psum_hbm.at[cid, pl.ds(row0, rpt)])
        pltpu.sync_copy(scnt.at[pl.ds(row0, rpt)],
                        pcnt_hbm.at[cid, pl.ds(row0, rpt)])

    return edge



def _combine_kernel(n_acc, n_out):
    base = (n_out // _NW) // 8 * 8
    tail0 = _NW * base
    tail = n_out - tail0
    mesh = plsc.VectorSubcoreMesh(core_axis_name="c", subcore_axis_name="s")

    @functools.partial(
        pl.kernel,
        out_type=jax.ShapeDtypeStruct((n_out * D,), jnp.float32),
        mesh=mesh,
        scratch_types=[
            pltpu.VMEM((base + tail, D), jnp.float32),
            pltpu.VMEM((base + tail, D), jnp.float32),
            pltpu.VMEM((base + tail, _CW), jnp.float32),
            pltpu.VMEM((base + tail, _CW), jnp.float32),
            pltpu.VMEM(((base + tail) * D,), jnp.float32),
            pltpu.SemaphoreType.DMA,
            pltpu.SemaphoreType.DMA,
        ],
        compiler_params=pltpu.CompilerParams(use_tc_tiling_on_sc=False,
                                            skip_device_barrier=True),
    )
    def combine(psum_hbm, pcnt_hbm, out_hbm, p0, p1, c0, c1, o, psem, csem):
        cid = lax.axis_index("c")
        sid = lax.axis_index("s")
        wid = cid * _NSUB + sid
        nr = jnp.where(wid == 0, base + tail, base)
        row0 = jnp.where(wid == 0, 0, wid * base + tail)

        def do(nrows):
            cp0 = pltpu.async_copy(psum_hbm.at[0, pl.ds(row0, nrows)],
                                   p0.at[pl.ds(0, nrows)], psem)
            cp1 = pltpu.async_copy(psum_hbm.at[1, pl.ds(row0, nrows)],
                                   p1.at[pl.ds(0, nrows)], psem)
            cc0 = pltpu.async_copy(pcnt_hbm.at[0, pl.ds(row0, nrows)],
                                   c0.at[pl.ds(0, nrows)], csem)
            cc1 = pltpu.async_copy(pcnt_hbm.at[1, pl.ds(row0, nrows)],
                                   c1.at[pl.ds(0, nrows)], csem)
            cp0.wait()
            cp1.wait()
            cc0.wait()
            cc1.wait()

            def one_row(r):
                inv = 1.0 / jnp.maximum(c0[r, pl.ds(0, 16)]
                                        + c1[r, pl.ds(0, 16)], 1.0)
                o[pl.ds(r * D, 16)] = (p0[r, pl.ds(0, 16)]
                                       + p1[r, pl.ds(0, 16)]) * inv
                o[pl.ds(r * D + 16, 16)] = (p0[r, pl.ds(16, 16)]
                                            + p1[r, pl.ds(16, 16)]) * inv

            @plsc.parallel_loop(0, nrows, unroll=4)
            def _(r):
                one_row(r)
            pltpu.sync_copy(o.at[pl.ds(0, nrows * D)],
                            out_hbm.at[pl.ds(row0 * D, nrows * D)])

        @pl.when(wid == 0)
        def _():
            do(base + tail)

        @pl.when(wid != 0)
        def _():
            do(base)

    return combine



def kernel(h, edge_index, Wq, Wk):
    n, d = h.shape
    e = edge_index.shape[1]

    n_acc = ((n + 1 + 127) // 128) * 128
    epw = ((e + _NW * _CH - 1) // (_NW * _CH)) * _CH
    n_chunks = epw // _CH
    e_pad = _NW * epw
    ei = jnp.pad(edge_index, ((0, 0), (0, e_pad - e)), constant_values=n)

    zsum = jnp.zeros((n_acc, D), jnp.float32)
    zcnt = jnp.zeros((n_acc, _CW), jnp.float32)
    ones = jnp.ones((_CH, _CW), jnp.float32)

    a = _node_attention(h, Wq, Wk)
    psum, pcnt = _edge_kernel(n_acc, n_chunks)(a, ei, zsum, zcnt, ones)
    return _combine_kernel(n_acc, n)(psum, pcnt).reshape(n, D)

# --- scband reference (transcript-rebuilt; emitter-appended) ---
"""Pipeline reference for scband-gatinner-layer-12077448036818 (READ-ONLY COPY).

The authoritative reference and input builder live on the scoring server;
editing this copy changes nothing except your own understanding.
"""

import jax, jax.numpy as jnp
import numpy as np

N = 10000
D = 32
E_RAND = 80000
E = E_RAND + N  # DGL add_self_loop appends one self edge per node


def setup_inputs(seed: int = 0) -> dict:
    key = jax.random.key(seed)
    k1, k2, k3, k4, k5 = jax.random.split(key, 5)
    h = jax.random.normal(k1, (N, D), dtype=jnp.float32)
    src = jax.random.randint(k2, (E_RAND,), 0, N, dtype=jnp.int32)
    dst = jax.random.randint(k3, (E_RAND,), 0, N, dtype=jnp.int32)
    loops = jnp.arange(N, dtype=jnp.int32)
    edge_index = jnp.stack([
        jnp.concatenate([src, loops]),
        jnp.concatenate([dst, loops]),
    ])
    # xavier_normal_ with gain for relu: std = gain * sqrt(2 / (fan_in + fan_out))
    gain = float(np.sqrt(2.0))
    std = gain * float(np.sqrt(2.0 / (D + D)))
    Wq = jax.random.normal(k4, (D, D), dtype=jnp.float32) * std
    Wk = jax.random.normal(k5, (D, D), dtype=jnp.float32) * std
    return {"h": h, "edge_index": edge_index, "Wq": Wq, "Wk": Wk}


def reference(h, edge_index, Wq, Wk):
    src = edge_index[0]
    dst = edge_index[1]
    n_nodes = h.shape[0]
    d = h.shape[1]
    # edge_attention: all tensors use edges.src['h']
    h_src = jnp.take(h, src, axis=0)                 # [E, d] gather
    q = h_src @ Wq.T                                  # nn.Linear(bias=False): x @ W^T
    k = h_src @ Wk.T
    # qVal[:, :, None] @ kVal[:, None, :] -> outer product [E, d, d]
    score = (q[:, :, None] * k[:, None, :]) / jnp.sqrt(jnp.float32(d))
    score = jax.nn.softmax(score, axis=1)             # F.softmax(score, dim=1)
    # bmm(score, origin): [E,d,d] @ [E,d,1] -> [E,d,1]; .sum(dim=2) -> [E,d]
    att = jnp.einsum('eij,ej->ei', score, h_src)
    # reduce_func: mean of mailbox 'a' over incoming edges per dst node
    sums = jax.ops.segment_sum(att, dst, num_segments=n_nodes)
    counts = jax.ops.segment_sum(jnp.ones((att.shape[0],), dtype=jnp.float32), dst,
                                 num_segments=n_nodes)
    out = sums / jnp.maximum(counts, 1.0)[:, None]
    return out

if __name__ == "__main__":
    import jax
    _d = setup_inputs()
    print(jax.jit(kernel)(*tuple(_d.values())))

</pallas_src>

<mosaic_0001>
#map = affine_map<(d0, d1) -> (0, 0)>
#map1 = affine_map<(d0, d1) -> (0, 0, 0)>
module attributes {stable_mosaic.version = 14 : i64} {
  func.func @edge(%arg0: i32, %arg1: i32, %arg2: memref<10240x32xf32, #tpu.memory_space<hbm>>, %arg3: memref<2x90112xi32, #tpu.memory_space<hbm>>, %arg4: memref<10112x32xf32, #tpu.memory_space<hbm>>, %arg5: memref<10112x16xf32, #tpu.memory_space<hbm>>, %arg6: memref<128x16xf32, #tpu.memory_space<hbm>>, %arg7: memref<2x10112x32xf32, #tpu.memory_space<hbm>>, %arg8: memref<2x10112x16xf32, #tpu.memory_space<hbm>>, %arg9: memref<2816xi32, #tpu.memory_space<vmem>>, %arg10: memref<2816xi32, #tpu.memory_space<vmem>>, %arg11: memref<128x32xf32, #tpu.memory_space<vmem>>, %arg12: memref<128x32xf32, #tpu.memory_space<vmem>>, %arg13: memref<128x32xf32, #tpu.memory_space<vmem>>, %arg14: memref<128x32xf32, #tpu.memory_space<vmem>>, %arg15: memref<128x16xf32, #tpu.memory_space<vmem>>, %arg16: memref<10112x32xf32, #tpu.memory_space<vmem_shared>>, %arg17: memref<10112x16xf32, #tpu.memory_space<vmem_shared>>, %arg18: memref<!tpu.dma_semaphore, #tpu.memory_space<semaphore_mem>>, %arg19: memref<!tpu.dma_semaphore, #tpu.memory_space<semaphore_mem>>, %arg20: memref<!tpu.dma_semaphore, #tpu.memory_space<semaphore_mem>>, %arg21: memref<!tpu.dma_semaphore, #tpu.memory_space<semaphore_mem>>, %arg22: memref<!tpu.dma_semaphore, #tpu.memory_space<semaphore_mem>>, %arg23: memref<!tpu.dma_semaphore, #tpu.memory_space<semaphore_mem>>, %arg24: memref<!tpu.dma_semaphore, #tpu.memory_space<semaphore_mem>>, %arg25: memref<!tpu.dma_semaphore, #tpu.memory_space<semaphore_mem>>, %arg26: memref<!tpu.dma_semaphore, #tpu.memory_space<semaphore_mem>>, %arg27: memref<!tpu.dma_semaphore, #tpu.memory_space<semaphore_mem>>, %arg28: memref<!tpu.dma_semaphore, #tpu.memory_space<semaphore_mem>>, %arg29: memref<!tpu.dma_semaphore, #tpu.memory_space<semaphore_mem>>) attributes {dimension_semantics = [#tpu.dimension_semantics<core_parallel>, #tpu.dimension_semantics<subcore_parallel>], iteration_bounds = array<i64: 2, 16>, scalar_prefetch = 0 : i64, scratch_operands = 21 : i64, tpu.core_type = #tpu.core_type<sc_vector_subcore>, window_params = [{transform_indices = #map}, {transform_indices = #map}, {transform_indices = #map}, {transform_indices = #map}, {transform_indices = #map}, {transform_indices = #map1}, {transform_indices = #map1}]} {
    %mul3A = arith.constant 16 : i32
    %mul3A_0 = arith.muli %arg0, %mul3A : i32
    %add3A = arith.addi %mul3A_0, %arg1 : i32
    %mul3A_1 = arith.constant 632 : i32
    %mul3A_2 = arith.muli %arg1, %mul3A_1 : i32
    %dma_start3A = arith.constant 0 : i32
    %dma_start3A_3 = tpu.memref_slice %arg16[%mul3A_2, %dma_start3A] : memref<10112x32xf32, #tpu.memory_space<vmem_shared>> -> memref<632x32xf32, #tpu.memory_space<vmem_shared>>
    %dma_start3A_4 = arith.constant 0 : i32
    %dma_start3A_5 = tpu.memref_slice %arg4[%mul3A_2, %dma_start3A_4] : memref<10112x32xf32, #tpu.memory_space<hbm>> -> memref<632x32xf32, #tpu.memory_space<hbm>>
    tpu.enqueue_dma source(%dma_start3A_5 : memref<632x32xf32, #tpu.memory_space<hbm>>) target(%dma_start3A_3 : memref<632x32xf32, #tpu.memory_space<vmem_shared>>) target_semaphore(%arg22 : memref<!tpu.dma_semaphore, #tpu.memory_space<semaphore_mem>>)
    %dma_start3A_6 = arith.constant 0 : i32
    %dma_start3A_7 = tpu.memref_slice %arg17[%mul3A_2, %dma_start3A_6] : memref<10112x16xf32, #tpu.memory_space<vmem_shared>> -> memref<632x16xf32, #tpu.memory_space<vmem_shared>>
    %dma_start3A_8 = arith.constant 0 : i32
    %dma_start3A_9 = tpu.memref_slice %arg5[%mul3A_2, %dma_start3A_8] : memref<10112x16xf32, #tpu.memory_space<hbm>> -> memref<632x16xf32, #tpu.memory_space<hbm>>
    tpu.enqueue_dma source(%dma_start3A_9 : memref<632x16xf32, #tpu.memory_space<hbm>>) target(%dma_start3A_7 : memref<632x16xf32, #tpu.memory_space<vmem_shared>>) target_semaphore(%arg26 : memref<!tpu.dma_semaphore, #tpu.memory_space<semaphore_mem>>)
    tpu.enqueue_dma source(%arg6 : memref<128x16xf32, #tpu.memory_space<hbm>>) target(%arg15 : memref<128x16xf32, #tpu.memory_space<vmem>>) target_semaphore(%arg27 : memref<!tpu.dma_semaphore, #tpu.memory_space<semaphore_mem>>)
    %mul3A_10 = arith.constant 2816 : i32
    %mul3A_11 = arith.muli %add3A, %mul3A_10 : i32
    %dma_start3A_12 = arith.constant 0 : i32
    %dma_start3A_13 = tpu.memref_slice %arg3[%dma_start3A_12, %mul3A_11] : memref<2x90112xi32, #tpu.memory_space<hbm>> -> memref<1x2816xi32, #tpu.memory_space<hbm>>
    %dma_start3A_14 = tpu.memref_squeeze %dma_start3A_13 : memref<1x2816xi32, #tpu.memory_space<hbm>> -> memref<2816xi32, #tpu.memory_space<hbm>>
    %dma_start3A_15 = tpu.memref_slice %arg3[%dma_start3A_12, %mul3A_11] : memref<2x90112xi32, #tpu.memory_space<hbm>> -> memref<1x2816xi32, #tpu.memory_space<hbm>>
    %dma_start3A_16 = tpu.memref_squeeze %dma_start3A_15 : memref<1x2816xi32, #tpu.memory_space<hbm>> -> memref<2816xi32, #tpu.memory_space<hbm>>
    tpu.enqueue_dma source(%dma_start3A_16 : memref<2816xi32, #tpu.memory_space<hbm>>) target(%arg9 : memref<2816xi32, #tpu.memory_space<vmem>>) target_semaphore(%arg18 : memref<!tpu.dma_semaphore, #tpu.memory_space<semaphore_mem>>)
    %mul3A_17 = arith.constant 2816 : i32
    %mul3A_18 = arith.muli %add3A, %mul3A_17 : i32
    %dma_start3A_19 = arith.constant 1 : i32
    %dma_start3A_20 = tpu.memref_slice %arg3[%dma_start3A_19, %mul3A_18] : memref<2x90112xi32, #tpu.memory_space<hbm>> -> memref<1x2816xi32, #tpu.memory_space<hbm>>
    %dma_start3A_21 = tpu.memref_squeeze %dma_start3A_20 : memref<1x2816xi32, #tpu.memory_space<hbm>> -> memref<2816xi32, #tpu.memory_space<hbm>>
    %dma_start3A_22 = tpu.memref_slice %arg3[%dma_start3A_19, %mul3A_18] : memref<2x90112xi32, #tpu.memory_space<hbm>> -> memref<1x2816xi32, #tpu.memory_space<hbm>>
    %dma_start3A_23 = tpu.memref_squeeze %dma_start3A_22 : memref<1x2816xi32, #tpu.memory_space<hbm>> -> memref<2816xi32, #tpu.memory_space<hbm>>
    tpu.enqueue_dma source(%dma_start3A_23 : memref<2816xi32, #tpu.memory_space<hbm>>) target(%arg10 : memref<2816xi32, #tpu.memory_space<vmem>>) target_semaphore(%arg19 : memref<!tpu.dma_semaphore, #tpu.memory_space<semaphore_mem>>)
    %dma_wait3A = arith.constant 0 : i32
    %dma_wait3A_24 = tpu.memref_slice %arg16[%mul3A_2, %dma_wait3A] : memref<10112x32xf32, #tpu.memory_space<vmem_shared>> -> memref<632x32xf32, #tpu.memory_space<vmem_shared>>
    %dma_wait3A_25 = arith.constant 0 : i32
    %dma_wait3A_26 = tpu.memref_slice %arg4[%mul3A_2, %dma_wait3A_25] : memref<10112x32xf32, #tpu.memory_space<hbm>> -> memref<632x32xf32, #tpu.memory_space<hbm>>
    tpu.wait_dma2 semaphore(%arg22 : memref<!tpu.dma_semaphore, #tpu.memory_space<semaphore_mem>>) src(%dma_wait3A_26 : memref<632x32xf32, #tpu.memory_space<hbm>>) dst(%dma_wait3A_24 : memref<632x32xf32, #tpu.memory_space<vmem_shared>>)
    %dma_wait3A_27 = arith.constant 0 : i32
    %dma_wait3A_28 = tpu.memref_slice %arg17[%mul3A_2, %dma_wait3A_27] : memref<10112x16xf32, #tpu.memory_space<vmem_shared>> -> memref<632x16xf32, #tpu.memory_space<vmem_shared>>
    %dma_wait3A_29 = arith.constant 0 : i32
    %dma_wait3A_30 = tpu.memref_slice %arg5[%mul3A_2, %dma_wait3A_29] : memref<10112x16xf32, #tpu.memory_space<hbm>> -> memref<632x16xf32, #tpu.memory_space<hbm>>
    tpu.wait_dma2 semaphore(%arg26 : memref<!tpu.dma_semaphore, #tpu.memory_space<semaphore_mem>>) src(%dma_wait3A_30 : memref<632x16xf32, #tpu.memory_space<hbm>>) dst(%dma_wait3A_28 : memref<632x16xf32, #tpu.memory_space<vmem_shared>>)
    tpu.wait_dma2 semaphore(%arg27 : memref<!tpu.dma_semaphore, #tpu.memory_space<semaphore_mem>>) src(%arg6 : memref<128x16xf32, #tpu.memory_space<hbm>>) dst(%arg15 : memref<128x16xf32, #tpu.memory_space<vmem>>)
    %dma_wait3A_31 = arith.constant 0 : i32
    %dma_wait3A_32 = tpu.memref_slice %arg3[%dma_wait3A_31, %mul3A_11] : memref<2x90112xi32, #tpu.memory_space<hbm>> -> memref<1x2816xi32, #tpu.memory_space<hbm>>
    %dma_wait3A_33 = tpu.memref_squeeze %dma_wait3A_32 : memref<1x2816xi32, #tpu.memory_space<hbm>> -> memref<2816xi32, #tpu.memory_space<hbm>>
    %dma_wait3A_34 = tpu.memref_slice %arg3[%dma_wait3A_31, %mul3A_11] : memref<2x90112xi32, #tpu.memory_space<hbm>> -> memref<1x2816xi32, #tpu.memory_space<hbm>>
    %dma_wait3A_35 = tpu.memref_squeeze %dma_wait3A_34 : memref<1x2816xi32, #tpu.memory_space<hbm>> -> memref<2816xi32, #tpu.memory_space<hbm>>
    tpu.wait_dma2 semaphore(%arg18 : memref<!tpu.dma_semaphore, #tpu.memory_space<semaphore_mem>>) src(%dma_wait3A_35 : memref<2816xi32, #tpu.memory_space<hbm>>) dst(%arg9 : memref<2816xi32, #tpu.memory_space<vmem>>)
    %dma_wait3A_36 = arith.constant 1 : i32
    %dma_wait3A_37 = tpu.memref_slice %arg3[%dma_wait3A_36, %mul3A_18] : memref<2x90112xi32, #tpu.memory_space<hbm>> -> memref<1x2816xi32, #tpu.memory_space<hbm>>
    %dma_wait3A_38 = tpu.memref_squeeze %dma_wait3A_37 : memref<1x2816xi32, #tpu.memory_space<hbm>> -> memref<2816xi32, #tpu.memory_space<hbm>>
    %dma_wait3A_39 = tpu.memref_slice %arg3[%dma_wait3A_36, %mul3A_18] : memref<2x90112xi32, #tpu.memory_space<hbm>> -> memref<1x2816xi32, #tpu.memory_space<hbm>>
    %dma_wait3A_40 = tpu.memref_squeeze %dma_wait3A_39 : memref<1x2816xi32, #tpu.memory_space<hbm>> -> memref<2816xi32, #tpu.memory_space<hbm>>
    tpu.wait_dma2 semaphore(%arg19 : memref<!tpu.dma_semaphore, #tpu.memory_space<semaphore_mem>>) src(%dma_wait3A_40 : memref<2816xi32, #tpu.memory_space<hbm>>) dst(%arg10 : memref<2816xi32, #tpu.memory_space<vmem>>)
    %barrier3A = arith.constant 0 : index
    tpu.barrier barrier_id(%barrier3A)
    %dma_start3A_41 = arith.constant 0 : i32
    %dma_start3A_42 = tpu.memref_slice %arg9[%dma_start3A_41] : memref<2816xi32, #tpu.memory_space<vmem>> -> memref<128xi32, #tpu.memory_space<vmem>>
    %dma_start3A_43 = arith.constant 0 : i32
    %dma_start3A_44 = arith.constant 0 : i32
    %dma_start3A_45 = tpu.memref_slice %arg2[%dma_start3A_43, %dma_start3A_44] : memref<10240x32xf32, #tpu.memory_space<hbm>> -> memref<10240x32xf32, #tpu.memory_space<hbm>>
    tpu.enqueue_indirect_dma source(%dma_start3A_45 : memref<10240x32xf32, #tpu.memory_space<hbm>>) target(%arg11 : memref<128x32xf32, #tpu.memory_space<vmem>>) offsets(%dma_start3A_42 : memref<128xi32, #tpu.memory_space<vmem>>) semaphore(%arg18 : memref<!tpu.dma_semaphore, #tpu.memory_space<semaphore_mem>>)
    %dma_start3A_46 = arith.constant 128 : i32
    %dma_start3A_47 = tpu.memref_slice %arg9[%dma_start3A_46] : memref<2816xi32, #tpu.memory_space<vmem>> -> memref<128xi32, #tpu.memory_space<vmem>>
    %dma_start3A_48 = arith.constant 0 : i32
    %dma_start3A_49 = arith.constant 0 : i32
    %dma_start3A_50 = tpu.memref_slice %arg2[%dma_start3A_48, %dma_start3A_49] : memref<10240x32xf32, #tpu.memory_space<hbm>> -> memref<10240x32xf32, #tpu.memory_space<hbm>>
    tpu.enqueue_indirect_dma source(%dma_start3A_50 : memref<10240x32xf32, #tpu.memory_space<hbm>>) target(%arg12 : memref<128x32xf32, #tpu.memory_space<vmem>>) offsets(%dma_start3A_47 : memref<128xi32, #tpu.memory_space<vmem>>) semaphore(%arg19 : memref<!tpu.dma_semaphore, #tpu.memory_space<semaphore_mem>>)
    %dma_start3A_51 = arith.constant 256 : i32
    %dma_start3A_52 = tpu.memref_slice %arg9[%dma_start3A_51] : memref<2816xi32, #tpu.memory_space<vmem>> -> memref<128xi32, #tpu.memory_space<vmem>>
    %dma_start3A_53 = arith.constant 0 : i32
    %dma_start3A_54 = arith.constant 0 : i32
    %dma_start3A_55 = tpu.memref_slice %arg2[%dma_start3A_53, %dma_start3A_54] : memref<10240x32xf32, #tpu.memory_space<hbm>> -> memref<10240x32xf32, #tpu.memory_space<hbm>>
    tpu.enqueue_indirect_dma source(%dma_start3A_55 : memref<10240x32xf32, #tpu.memory_space<hbm>>) target(%arg13 : memref<128x32xf32, #tpu.memory_space<vmem>>) offsets(%dma_start3A_52 : memref<128xi32, #tpu.memory_space<vmem>>) semaphore(%arg20 : memref<!tpu.dma_semaphore, #tpu.memory_space<semaphore_mem>>)
    %dma_start3A_56 = arith.constant 384 : i32
    %dma_start3A_57 = tpu.memref_slice %arg9[%dma_start3A_56] : memref<2816xi32, #tpu.memory_space<vmem>> -> memref<128xi32, #tpu.memory_space<vmem>>
    %dma_start3A_58 = arith.constant 0 : i32
    %dma_start3A_59 = arith.constant 0 : i32
    %dma_start3A_60 = tpu.memref_slice %arg2[%dma_start3A_58, %dma_start3A_59] : memref<10240x32xf32, #tpu.memory_space<hbm>> -> memref<10240x32xf32, #tpu.memory_space<hbm>>
    tpu.enqueue_indirect_dma source(%dma_start3A_60 : memref<10240x32xf32, #tpu.memory_space<hbm>>) target(%arg14 : memref<128x32xf32, #tpu.memory_space<vmem>>) offsets(%dma_start3A_57 : memref<128xi32, #tpu.memory_space<vmem>>) semaphore(%arg21 : memref<!tpu.dma_semaphore, #tpu.memory_space<semaphore_mem>>)
    %scan3A = arith.constant 0 : i32
    %scan3A_61 = arith.constant 0 : i32
    %scan3A_62 = arith.constant 5 : i32
    %scan3A_63 = arith.addi %scan3A_61, %scan3A_62 : i32
    %scan3A_64 = arith.constant 1 : i32
    scf.for %scan3A_117 = %scan3A_61 to %scan3A_63 step %scan3A_64  : i32 {
      %mul3A_118 = arith.constant 4 : i32
      %mul3A_119 = arith.muli %scan3A_117, %mul3A_118 : i32
      %dma_wait3A_120 = arith.constant 0 : i32
      %dma_wait3A_121 = tpu.memref_slice %arg9[%dma_wait3A_120] : memref<2816xi32, #tpu.memory_space<vmem>> -> memref<128xi32, #tpu.memory_space<vmem>>
      %dma_wait3A_122 = arith.constant 0 : i32
      %dma_wait3A_123 = arith.constant 0 : i32
      %dma_wait3A_124 = tpu.memref_slice %arg2[%dma_wait3A_122, %dma_wait3A_123] : memref<10240x32xf32, #tpu.memory_space<hbm>> -> memref<10240x32xf32, #tpu.memory_space<hbm>>
      tpu.wait_indirect_dma semaphore(%arg18 : memref<!tpu.dma_semaphore, #tpu.memory_space<semaphore_mem>>) src(%dma_wait3A_124 : memref<10240x32xf32, #tpu.memory_space<hbm>>) dst(%arg11 : memref<128x32xf32, #tpu.memory_space<vmem>>)
      %add3A_125 = arith.constant 0 : i32
      %add3A_126 = arith.addi %mul3A_119, %add3A_125 : i32
      %mul3A_127 = arith.constant 128 : i32
      %mul3A_128 = arith.muli %add3A_126, %mul3A_127 : i32
      %dma_start3A_129 = tpu.memref_slice %arg10[%mul3A_128] : memref<2816xi32, #tpu.memory_space<vmem>> -> memref<128xi32, #tpu.memory_space<vmem>>
      %dma_start3A_130 = arith.constant 0 : i32
      %dma_start3A_131 = arith.constant 0 : i32
      %dma_start3A_132 = tpu.memref_slice %arg16[%dma_start3A_130, %dma_start3A_131] : memref<10112x32xf32, #tpu.memory_space<vmem_shared>> -> memref<10112x32xf32, #tpu.memory_space<vmem_shared>>
      tpu.enqueue_indirect_dma source(%arg11 : memref<128x32xf32, #tpu.memory_space<vmem>>) target(%dma_start3A_132 : memref<10112x32xf32, #tpu.memory_space<vmem_shared>>) offsets(%dma_start3A_129 : memref<128xi32, #tpu.memory_space<vmem>>) semaphore(%arg22 : memref<!tpu.dma_semaphore, #tpu.memory_space<semaphore_mem>>) {add = true}
      %dma_start3A_133 = tpu.memref_slice %arg10[%mul3A_128] : memref<2816xi32, #tpu.memory_space<vmem>> -> memref<128xi32, #tpu.memory_space<vmem>>
      %dma_start3A_134 = arith.constant 0 : i32
      %dma_start3A_135 = arith.constant 0 : i32
      %dma_start3A_136 = tpu.memref_slice %arg17[%dma_start3A_134, %dma_start3A_135] : memref<10112x16xf32, #tpu.memory_space<vmem_shared>> -> memref<10112x16xf32, #tpu.memory_space<vmem_shared>>
      tpu.enqueue_indirect_dma source(%arg15 : memref<128x16xf32, #tpu.memory_space<vmem>>) target(%dma_start3A_136 : memref<10112x16xf32, #tpu.memory_space<vmem_shared>>) offsets(%dma_start3A_133 : memref<128xi32, #tpu.memory_space<vmem>>) semaphore(%arg26 : memref<!tpu.dma_semaphore, #tpu.memory_space<semaphore_mem>>) {add = true}
      %dma_wait3A_137 = arith.constant 0 : i32
      %dma_wait3A_138 = tpu.memref_slice %arg9[%dma_wait3A_137] : memref<2816xi32, #tpu.memory_space<vmem>> -> memref<128xi32, #tpu.memory_space<vmem>>
      %dma_wait3A_139 = arith.constant 0 : i32
      %dma_wait3A_140 = arith.constant 0 : i32
      %dma_wait3A_141 = tpu.memref_slice %arg2[%dma_wait3A_139, %dma_wait3A_140] : memref<10240x32xf32, #tpu.memory_space<hbm>> -> memref<10240x32xf32, #tpu.memory_space<hbm>>
      tpu.wait_indirect_dma semaphore(%arg19 : memref<!tpu.dma_semaphore, #tpu.memory_space<semaphore_mem>>) src(%dma_wait3A_141 : memref<10240x32xf32, #tpu.memory_space<hbm>>) dst(%arg12 : memref<128x32xf32, #tpu.memory_space<vmem>>)
      %add3A_142 = arith.constant 1 : i32
      %add3A_143 = arith.addi %mul3A_119, %add3A_142 : i32
      %mul3A_144 = arith.constant 128 : i32
      %mul3A_145 = arith.muli %add3A_143, %mul3A_144 : i32
      %dma_start3A_146 = tpu.memref_slice %arg10[%mul3A_145] : memref<2816xi32, #tpu.memory_space<vmem>> -> memref<128xi32, #tpu.memory_space<vmem>>
      %dma_start3A_147 = arith.constant 0 : i32
      %dma_start3A_148 = arith.constant 0 : i32
      %dma_start3A_149 = tpu.memref_slice %arg16[%dma_start3A_147, %dma_start3A_148] : memref<10112x32xf32, #tpu.memory_space<vmem_shared>> -> memref<10112x32xf32, #tpu.memory_space<vmem_shared>>
      tpu.enqueue_indirect_dma source(%arg12 : memref<128x32xf32, #tpu.memory_space<vmem>>) target(%dma_start3A_149 : memref<10112x32xf32, #tpu.memory_space<vmem_shared>>) offsets(%dma_start3A_146 : memref<128xi32, #tpu.memory_space<vmem>>) semaphore(%arg23 : memref<!tpu.dma_semaphore, #tpu.memory_space<semaphore_mem>>) {add = true}
      %dma_start3A_150 = tpu.memref_slice %arg10[%mul3A_145] : memref<2816xi32, #tpu.memory_space<vmem>> -> memref<128xi32, #tpu.memory_space<vmem>>
      %dma_start3A_151 = arith.constant 0 : i32
      %dma_start3A_152 = arith.constant 0 : i32
      %dma_start3A_153 = tpu.memref_slice %arg17[%dma_start3A_151, %dma_start3A_152] : memref<10112x16xf32, #tpu.memory_space<vmem_shared>> -> memref<10112x16xf32, #tpu.memory_space<vmem_shared>>
      tpu.enqueue_indirect_dma source(%arg15 : memref<128x16xf32, #tpu.memory_space<vmem>>) target(%dma_start3A_153 : memref<10112x16xf32, #tpu.memory_space<vmem_shared>>) offsets(%dma_start3A_150 : memref<128xi32, #tpu.memory_space<vmem>>) semaphore(%arg27 : memref<!tpu.dma_semaphore, #tpu.memory_space<semaphore_mem>>) {add = true}
      %dma_wait3A_154 = arith.constant 0 : i32
      %dma_wait3A_155 = tpu.memref_slice %arg9[%dma_wait3A_154] : memref<2816xi32, #tpu.memory_space<vmem>> -> memref<128xi32, #tpu.memory_space<vmem>>
      %dma_wait3A_156 = arith.constant 0 : i32
      %dma_wait3A_157 = arith.constant 0 : i32
      %dma_wait3A_158 = tpu.memref_slice %arg2[%dma_wait3A_156, %dma_wait3A_157] : memref<10240x32xf32, #tpu.memory_space<hbm>> -> memref<10240x32xf32, #tpu.memory_space<hbm>>
      tpu.wait_indirect_dma semaphore(%arg20 : memref<!tpu.dma_semaphore, #tpu.memory_space<semaphore_mem>>) src(%dma_wait3A_158 : memref<10240x32xf32, #tpu.memory_space<hbm>>) dst(%arg13 : memref<128x32xf32, #tpu.memory_space<vmem>>)
      %add3A_159 = arith.constant 2 : i32
      %add3A_160 = arith.addi %mul3A_119, %add3A_159 : i32
      %mul3A_161 = arith.constant 128 : i32
      %mul3A_162 = arith.muli %add3A_160, %mul3A_161 : i32
      %dma_start3A_163 = tpu.memref_slice %arg10[%mul3A_162] : memref<2816xi32, #tpu.memory_space<vmem>> -> memref<128xi32, #tpu.memory_space<vmem>>
      %dma_start3A_164 = arith.constant 0 : i32
      %dma_start3A_165 = arith.constant 0 : i32
      %dma_start3A_166 = tpu.memref_slice %arg16[%dma_start3A_164, %dma_start3A_165] : memref<10112x32xf32, #tpu.memory_space<vmem_shared>> -> memref<10112x32xf32, #tpu.memory_space<vmem_shared>>
      tpu.enqueue_indirect_dma source(%arg13 : memref<128x32xf32, #tpu.memory_space<vmem>>) target(%dma_start3A_166 : memref<10112x32xf32, #tpu.memory_space<vmem_shared>>) offsets(%dma_start3A_163 : memref<128xi32, #tpu.memory_space<vmem>>) semaphore(%arg24 : memref<!tpu.dma_semaphore, #tpu.memory_space<semaphore_mem>>) {add = true}
      %dma_start3A_167 = tpu.memref_slice %arg10[%mul3A_162] : memref<2816xi32, #tpu.memory_space<vmem>> -> memref<128xi32, #tpu.memory_space<vmem>>
      %dma_start3A_168 = arith.constant 0 : i32
      %dma_start3A_169 = arith.constant 0 : i32
      %dma_start3A_170 = tpu.memref_slice %arg17[%dma_start3A_168, %dma_start3A_169] : memref<10112x16xf32, #tpu.memory_space<vmem_shared>> -> memref<10112x16xf32, #tpu.memory_space<vmem_shared>>
      tpu.enqueue_indirect_dma source(%arg15 : memref<128x16xf32, #tpu.memory_space<vmem>>) target(%dma_start3A_170 : memref<10112x16xf32, #tpu.memory_space<vmem_shared>>) offsets(%dma_start3A_167 : memref<128xi32, #tpu.memory_space<vmem>>) semaphore(%arg28 : memref<!tpu.dma_semaphore, #tpu.memory_space<semaphore_mem>>) {add = true}
      %dma_wait3A_171 = arith.constant 0 : i32
      %dma_wait3A_172 = tpu.memref_slice %arg9[%dma_wait3A_171] : memref<2816xi32, #tpu.memory_space<vmem>> -> memref<128xi32, #tpu.memory_space<vmem>>
      %dma_wait3A_173 = arith.constant 0 : i32
      %dma_wait3A_174 = arith.constant 0 : i32
      %dma_wait3A_175 = tpu.memref_slice %arg2[%dma_wait3A_173, %dma_wait3A_174] : memref<10240x32xf32, #tpu.memory_space<hbm>> -> memref<10240x32xf32, #tpu.memory_space<hbm>>
      tpu.wait_indirect_dma semaphore(%arg21 : memref<!tpu.dma_semaphore, #tpu.memory_space<semaphore_mem>>) src(%dma_wait3A_175 : memref<10240x32xf32, #tpu.memory_space<hbm>>) dst(%arg14 : memref<128x32xf32, #tpu.memory_space<vmem>>)
      %add3A_176 = arith.constant 3 : i32
      %add3A_177 = arith.addi %mul3A_119, %add3A_176 : i32
      %mul3A_178 = arith.constant 128 : i32
      %mul3A_179 = arith.muli %add3A_177, %mul3A_178 : i32
      %dma_start3A_180 = tpu.memref_slice %arg10[%mul3A_179] : memref<2816xi32, #tpu.memory_space<vmem>> -> memref<128xi32, #tpu.memory_space<vmem>>
      %dma_start3A_181 = arith.constant 0 : i32
      %dma_start3A_182 = arith.constant 0 : i32
      %dma_start3A_183 = tpu.memref_slice %arg16[%dma_start3A_181, %dma_start3A_182] : memref<10112x32xf32, #tpu.memory_space<vmem_shared>> -> memref<10112x32xf32, #tpu.memory_space<vmem_shared>>
      tpu.enqueue_indirect_dma source(%arg14 : memref<128x32xf32, #tpu.memory_space<vmem>>) target(%dma_start3A_183 : memref<10112x32xf32, #tpu.memory_space<vmem_shared>>) offsets(%dma_start3A_180 : memref<128xi32, #tpu.memory_space<vmem>>) semaphore(%arg25 : memref<!tpu.dma_semaphore, #tpu.memory_space<semaphore_mem>>) {add = true}
      %dma_start3A_184 = tpu.memref_slice %arg10[%mul3A_179] : memref<2816xi32, #tpu.memory_space<vmem>> -> memref<128xi32, #tpu.memory_space<vmem>>
      %dma_start3A_185 = arith.constant 0 : i32
      %dma_start3A_186 = arith.constant 0 : i32
      %dma_start3A_187 = tpu.memref_slice %arg17[%dma_start3A_185, %dma_start3A_186] : memref<10112x16xf32, #tpu.memory_space<vmem_shared>> -> memref<10112x16xf32, #tpu.memory_space<vmem_shared>>
      tpu.enqueue_indirect_dma source(%arg15 : memref<128x16xf32, #tpu.memory_space<vmem>>) target(%dma_start3A_187 : memref<10112x16xf32, #tpu.memory_space<vmem_shared>>) offsets(%dma_start3A_184 : memref<128xi32, #tpu.memory_space<vmem>>) semaphore(%arg29 : memref<!tpu.dma_semaphore, #tpu.memory_space<semaphore_mem>>) {add = true}
      %dma_wait3A_188 = arith.constant 0 : i32
      %dma_wait3A_189 = tpu.memref_slice %arg9[%dma_wait3A_188] : memref<2816xi32, #tpu.memory_space<vmem>> -> memref<128xi32, #tpu.memory_space<vmem>>
      %dma_wait3A_190 = arith.constant 0 : i32
      %dma_wait3A_191 = arith.constant 0 : i32
      %dma_wait3A_192 = tpu.memref_slice %arg2[%dma_wait3A_190, %dma_wait3A_191] : memref<10240x32xf32, #tpu.memory_space<hbm>> -> memref<10240x32xf32, #tpu.memory_space<hbm>>
      tpu.wait_indirect_dma semaphore(%arg22 : memref<!tpu.dma_semaphore, #tpu.memory_space<semaphore_mem>>) src(%dma_wait3A_192 : memref<10240x32xf32, #tpu.memory_space<hbm>>) dst(%arg11 : memref<128x32xf32, #tpu.memory_space<vmem>>)
      tpu.wait_dma2 semaphore(%arg26 : memref<!tpu.dma_semaphore, #tpu.memory_space<semaphore_mem>>) src(%arg6 : memref<128x16xf32, #tpu.memory_space<hbm>>) dst(%arg15 : memref<128x16xf32, #tpu.memory_space<vmem>>)
      %add3A_193 = arith.constant 1 : i32
      %add3A_194 = arith.addi %scan3A_117, %add3A_193 : i32
      %lt3A = arith.constant 5 : i32
      %lt3A_195 = arith.cmpi slt, %add3A_194, %lt3A : i32
      %convert_element_type3A = arith.extui %lt3A_195 : i1 to i32
      %cond3A = arith.constant 0 : i32
      %cond3A_196 = arith.cmpi ne, %convert_element_type3A, %cond3A : i32
      scf.if %cond3A_196 {
        %add3A_233 = arith.constant 4 : i32
        %add3A_234 = arith.addi %mul3A_119, %add3A_233 : i32
        %add3A_235 = arith.constant 0 : i32
        %add3A_236 = arith.addi %add3A_234, %add3A_235 : i32
        %mul3A_237 = arith.constant 128 : i32
        %mul3A_238 = arith.muli %add3A_236, %mul3A_237 : i32
        %dma_start3A_239 = tpu.memref_slice %arg9[%mul3A_238] : memref<2816xi32, #tpu.memory_space<vmem>> -> memref<128xi32, #tpu.memory_space<vmem>>
        %dma_start3A_240 = arith.constant 0 : i32
        %dma_start3A_241 = arith.constant 0 : i32
        %dma_start3A_242 = tpu.memref_slice %arg2[%dma_start3A_240, %dma_start3A_241] : memref<10240x32xf32, #tpu.memory_space<hbm>> -> memref<10240x32xf32, #tpu.memory_space<hbm>>
        tpu.enqueue_indirect_dma source(%dma_start3A_242 : memref<10240x32xf32, #tpu.memory_space<hbm>>) target(%arg11 : memref<128x32xf32, #tpu.memory_space<vmem>>) offsets(%dma_start3A_239 : memref<128xi32, #tpu.memory_space<vmem>>) semaphore(%arg18 : memref<!tpu.dma_semaphore, #tpu.memory_space<semaphore_mem>>)
      } else {
      }
      %dma_wait3A_197 = arith.constant 0 : i32
      %dma_wait3A_198 = tpu.memref_slice %arg9[%dma_wait3A_197] : memref<2816xi32, #tpu.memory_space<vmem>> -> memref<128xi32, #tpu.memory_space<vmem>>
      %dma_wait3A_199 = arith.constant 0 : i32
      %dma_wait3A_200 = arith.constant 0 : i32
      %dma_wait3A_201 = tpu.memref_slice %arg2[%dma_wait3A_199, %dma_wait3A_200] : memref<10240x32xf32, #tpu.memory_space<hbm>> -> memref<10240x32xf32, #tpu.memory_space<hbm>>
      tpu.wait_indirect_dma semaphore(%arg23 : memref<!tpu.dma_semaphore, #tpu.memory_space<semaphore_mem>>) src(%dma_wait3A_201 : memref<10240x32xf32, #tpu.memory_space<hbm>>) dst(%arg12 : memref<128x32xf32, #tpu.memory_space<vmem>>)
      tpu.wait_dma2 semaphore(%arg27 : memref<!tpu.dma_semaphore, #tpu.memory_space<semaphore_mem>>) src(%arg6 : memref<128x16xf32, #tpu.memory_space<hbm>>) dst(%arg15 : memref<128x16xf32, #tpu.memory_space<vmem>>)
      %add3A_202 = arith.constant 1 : i32
      %add3A_203 = arith.addi %scan3A_117, %add3A_202 : i32
      %lt3A_204 = arith.constant 5 : i32
      %lt3A_205 = arith.cmpi slt, %add3A_203, %lt3A_204 : i32
      %convert_element_type3A_206 = arith.extui %lt3A_205 : i1 to i32
      %cond3A_207 = arith.constant 0 : i32
      %cond3A_208 = arith.cmpi ne, %convert_element_type3A_206, %cond3A_207 : i32
      scf.if %cond3A_208 {
        %add3A_233 = arith.constant 4 : i32
        %add3A_234 = arith.addi %mul3A_119, %add3A_233 : i32
        %add3A_235 = arith.constant 1 : i32
        %add3A_236 = arith.addi %add3A_234, %add3A_235 : i32
        %mul3A_237 = arith.constant 128 : i32
        %mul3A_238 = arith.muli %add3A_236, %mul3A_237 : i32
        %dma_start3A_239 = tpu.memref_slice %arg9[%mul3A_238] : memref<2816xi32, #tpu.memory_space<vmem>> -> memref<128xi32, #tpu.memory_space<vmem>>
        %dma_start3A_240 = arith.constant 0 : i32
        %dma_start3A_241 = arith.constant 0 : i32
        %dma_start3A_242 = tpu.memref_slice %arg2[%dma_start3A_240, %dma_start3A_241] : memref<10240x32xf32, #tpu.memory_space<hbm>> -> memref<10240x32xf32, #tpu.memory_space<hbm>>
        tpu.enqueue_indirect_dma source(%dma_start3A_242 : memref<10240x32xf32, #tpu.memory_space<hbm>>) target(%arg12 : memref<128x32xf32, #tpu.memory_space<vmem>>) offsets(%dma_start3A_239 : memref<128xi32, #tpu.memory_space<vmem>>) semaphore(%arg19 : memref<!tpu.dma_semaphore, #tpu.memory_space<semaphore_mem>>)
      } else {
      }
      %dma_wait3A_209 = arith.constant 0 : i32
      %dma_wait3A_210 = tpu.memref_slice %arg9[%dma_wait3A_209] : memref<2816xi32, #tpu.memory_space<vmem>> -> memref<128xi32, #tpu.memory_space<vmem>>
      %dma_wait3A_211 = arith.constant 0 : i32
      %dma_wait3A_212 = arith.constant 0 : i32
      %dma_wait3A_213 = tpu.memref_slice %arg2[%dma_wait3A_211, %dma_wait3A_212] : memref<10240x32xf32, #tpu.memory_space<hbm>> -> memref<10240x32xf32, #tpu.memory_space<hbm>>
      tpu.wait_indirect_dma semaphore(%arg24 : memref<!tpu.dma_semaphore, #tpu.memory_space<semaphore_mem>>) src(%dma_wait3A_213 : memref<10240x32xf32, #tpu.memory_space<hbm>>) dst(%arg13 : memref<128x32xf32, #tpu.memory_space<vmem>>)
      tpu.wait_dma2 semaphore(%arg28 : memref<!tpu.dma_semaphore, #tpu.memory_space<semaphore_mem>>) src(%arg6 : memref<128x16xf32, #tpu.memory_space<hbm>>) dst(%arg15 : memref<128x16xf32, #tpu.memory_space<vmem>>)
      %add3A_214 = arith.constant 1 : i32
      %add3A_215 = arith.addi %scan3A_117, %add3A_214 : i32
      %lt3A_216 = arith.constant 5 : i32
      %lt3A_217 = arith.cmpi slt, %add3A_215, %lt3A_216 : i32
      %convert_element_type3A_218 = arith.extui %lt3A_217 : i1 to i32
      %cond3A_219 = arith.constant 0 : i32
      %cond3A_220 = arith.cmpi ne, %convert_element_type3A_218, %cond3A_219 : i32
      scf.if %cond3A_220 {
        %add3A_233 = arith.constant 4 : i32
        %add3A_234 = arith.addi %mul3A_119, %add3A_233 : i32
        %add3A_235 = arith.constant 2 : i32
        %add3A_236 = arith.addi %add3A_234, %add3A_235 : i32
        %mul3A_237 = arith.constant 128 : i32
        %mul3A_238 = arith.muli %add3A_236, %mul3A_237 : i32
        %dma_start3A_239 = tpu.memref_slice %arg9[%mul3A_238] : memref<2816xi32, #tpu.memory_space<vmem>> -> memref<128xi32, #tpu.memory_space<vmem>>
        %dma_start3A_240 = arith.constant 0 : i32
        %dma_start3A_241 = arith.constant 0 : i32
        %dma_start3A_242 = tpu.memref_slice %arg2[%dma_start3A_240, %dma_start3A_241] : memref<10240x32xf32, #tpu.memory_space<hbm>> -> memref<10240x32xf32, #tpu.memory_space<hbm>>
        tpu.enqueue_indirect_dma source(%dma_start3A_242 : memref<10240x32xf32, #tpu.memory_space<hbm>>) target(%arg13 : memref<128x32xf32, #tpu.memory_space<vmem>>) offsets(%dma_start3A_239 : memref<128xi32, #tpu.memory_space<vmem>>) semaphore(%arg20 : memref<!tpu.dma_semaphore, #tpu.memory_space<semaphore_mem>>)
      } else {
      }
      %dma_wait3A_221 = arith.constant 0 : i32
      %dma_wait3A_222 = tpu.memref_slice %arg9[%dma_wait3A_221] : memref<2816xi32, #tpu.memory_space<vmem>> -> memref<128xi32, #tpu.memory_space<vmem>>
      %dma_wait3A_223 = arith.constant 0 : i32
      %dma_wait3A_224 = arith.constant 0 : i32
      %dma_wait3A_225 = tpu.memref_slice %arg2[%dma_wait3A_223, %dma_wait3A_224] : memref<10240x32xf32, #tpu.memory_space<hbm>> -> memref<10240x32xf32, #tpu.memory_space<hbm>>
      tpu.wait_indirect_dma semaphore(%arg25 : memref<!tpu.dma_semaphore, #tpu.memory_space<semaphore_mem>>) src(%dma_wait3A_225 : memref<10240x32xf32, #tpu.memory_space<hbm>>) dst(%arg14 : memref<128x32xf32, #tpu.memory_space<vmem>>)
      tpu.wait_dma2 semaphore(%arg29 : memref<!tpu.dma_semaphore, #tpu.memory_space<semaphore_mem>>) src(%arg6 : memref<128x16xf32, #tpu.memory_space<hbm>>) dst(%arg15 : memref<128x16xf32, #tpu.memory_space<vmem>>)
      %add3A_226 = arith.constant 1 : i32
      %add3A_227 = arith.addi %scan3A_117, %add3A_226 : i32
      %lt3A_228 = arith.constant 5 : i32
      %lt3A_229 = arith.cmpi slt, %add3A_227, %lt3A_228 : i32
      %convert_element_type3A_230 = arith.extui %lt3A_229 : i1 to i32
      %cond3A_231 = arith.constant 0 : i32
      %cond3A_232 = arith.cmpi ne, %convert_element_type3A_230, %cond3A_231 : i32
      scf.if %cond3A_232 {
        %add3A_233 = arith.constant 4 : i32
        %add3A_234 = arith.addi %mul3A_119, %add3A_233 : i32
        %add3A_235 = arith.constant 3 : i32
        %add3A_236 = arith.addi %add3A_234, %add3A_235 : i32
        %mul3A_237 = arith.constant 128 : i32
        %mul3A_238 = arith.muli %add3A_236, %mul3A_237 : i32
        %dma_start3A_239 = tpu.memref_slice %arg9[%mul3A_238] : memref<2816xi32, #tpu.memory_space<vmem>> -> memref<128xi32, #tpu.memory_space<vmem>>
        %dma_start3A_240 = arith.constant 0 : i32
        %dma_start3A_241 = arith.constant 0 : i32
        %dma_start3A_242 = tpu.memref_slice %arg2[%dma_start3A_240, %dma_start3A_241] : memref<10240x32xf32, #tpu.memory_space<hbm>> -> memref<10240x32xf32, #tpu.memory_space<hbm>>
        tpu.enqueue_indirect_dma source(%dma_start3A_242 : memref<10240x32xf32, #tpu.memory_space<hbm>>) target(%arg14 : memref<128x32xf32, #tpu.memory_space<vmem>>) offsets(%dma_start3A_239 : memref<128xi32, #tpu.memory_space<vmem>>) semaphore(%arg21 : memref<!tpu.dma_semaphore, #tpu.memory_space<semaphore_mem>>)
      } else {
      }
    }
    %scan3A_65 = arith.constant 5 : i32
    %dma_start3A_66 = arith.constant 2560 : i32
    %dma_start3A_67 = tpu.memref_slice %arg9[%dma_start3A_66] : memref<2816xi32, #tpu.memory_space<vmem>> -> memref<128xi32, #tpu.memory_space<vmem>>
    %dma_start3A_68 = arith.constant 0 : i32
    %dma_start3A_69 = arith.constant 0 : i32
    %dma_start3A_70 = tpu.memref_slice %arg2[%dma_start3A_68, %dma_start3A_69] : memref<10240x32xf32, #tpu.memory_space<hbm>> -> memref<10240x32xf32, #tpu.memory_space<hbm>>
    tpu.enqueue_indirect_dma source(%dma_start3A_70 : memref<10240x32xf32, #tpu.memory_space<hbm>>) target(%arg11 : memref<128x32xf32, #tpu.memory_space<vmem>>) offsets(%dma_start3A_67 : memref<128xi32, #tpu.memory_space<vmem>>) semaphore(%arg18 : memref<!tpu.dma_semaphore, #tpu.memory_space<semaphore_mem>>)
    %dma_start3A_71 = arith.constant 2688 : i32
    %dma_start3A_72 = tpu.memref_slice %arg9[%dma_start3A_71] : memref<2816xi32, #tpu.memory_space<vmem>> -> memref<128xi32, #tpu.memory_space<vmem>>
    %dma_start3A_73 = arith.constant 0 : i32
    %dma_start3A_74 = arith.constant 0 : i32
    %dma_start3A_75 = tpu.memref_slice %arg2[%dma_start3A_73, %dma_start3A_74] : memref<10240x32xf32, #tpu.memory_space<hbm>> -> memref<10240x32xf32, #tpu.memory_space<hbm>>
    tpu.enqueue_indirect_dma source(%dma_start3A_75 : memref<10240x32xf32, #tpu.memory_space<hbm>>) target(%arg12 : memref<128x32xf32, #tpu.memory_space<vmem>>) offsets(%dma_start3A_72 : memref<128xi32, #tpu.memory_space<vmem>>) semaphore(%arg19 : memref<!tpu.dma_semaphore, #tpu.memory_space<semaphore_mem>>)
    %dma_wait3A_76 = arith.constant 0 : i32
    %dma_wait3A_77 = tpu.memref_slice %arg9[%dma_wait3A_76] : memref<2816xi32, #tpu.memory_space<vmem>> -> memref<128xi32, #tpu.memory_space<vmem>>
    %dma_wait3A_78 = arith.constant 0 : i32
    %dma_wait3A_79 = arith.constant 0 : i32
    %dma_wait3A_80 = tpu.memref_slice %arg2[%dma_wait3A_78, %dma_wait3A_79] : memref<10240x32xf32, #tpu.memory_space<hbm>> -> memref<10240x32xf32, #tpu.memory_space<hbm>>
    tpu.wait_indirect_dma semaphore(%arg18 : memref<!tpu.dma_semaphore, #tpu.memory_space<semaphore_mem>>) src(%dma_wait3A_80 : memref<10240x32xf32, #tpu.memory_space<hbm>>) dst(%arg11 : memref<128x32xf32, #tpu.memory_space<vmem>>)
    %dma_start3A_81 = arith.constant 2560 : i32
    %dma_start3A_82 = tpu.memref_slice %arg10[%dma_start3A_81] : memref<2816xi32, #tpu.memory_space<vmem>> -> memref<128xi32, #tpu.memory_space<vmem>>
    %dma_start3A_83 = arith.constant 0 : i32
    %dma_start3A_84 = arith.constant 0 : i32
    %dma_start3A_85 = tpu.memref_slice %arg16[%dma_start3A_83, %dma_start3A_84] : memref<10112x32xf32, #tpu.memory_space<vmem_shared>> -> memref<10112x32xf32, #tpu.memory_space<vmem_shared>>
    tpu.enqueue_indirect_dma source(%arg11 : memref<128x32xf32, #tpu.memory_space<vmem>>) target(%dma_start3A_85 : memref<10112x32xf32, #tpu.memory_space<vmem_shared>>) offsets(%dma_start3A_82 : memref<128xi32, #tpu.memory_space<vmem>>) semaphore(%arg22 : memref<!tpu.dma_semaphore, #tpu.memory_space<semaphore_mem>>) {add = true}
    %dma_start3A_86 = arith.constant 2560 : i32
    %dma_start3A_87 = tpu.memref_slice %arg10[%dma_start3A_86] : memref<2816xi32, #tpu.memory_space<vmem>> -> memref<128xi32, #tpu.memory_space<vmem>>
    %dma_start3A_88 = arith.constant 0 : i32
    %dma_start3A_89 = arith.constant 0 : i32
    %dma_start3A_90 = tpu.memref_slice %arg17[%dma_start3A_88, %dma_start3A_89] : memref<10112x16xf32, #tpu.memory_space<vmem_shared>> -> memref<10112x16xf32, #tpu.memory_space<vmem_shared>>
    tpu.enqueue_indirect_dma source(%arg15 : memref<128x16xf32, #tpu.memory_space<vmem>>) target(%dma_start3A_90 : memref<10112x16xf32, #tpu.memory_space<vmem_shared>>) offsets(%dma_start3A_87 : memref<128xi32, #tpu.memory_space<vmem>>) semaphore(%arg26 : memref<!tpu.dma_semaphore, #tpu.memory_space<semaphore_mem>>) {add = true}
    %dma_wait3A_91 = arith.constant 0 : i32
    %dma_wait3A_92 = tpu.memref_slice %arg9[%dma_wait3A_91] : memref<2816xi32, #tpu.memory_space<vmem>> -> memref<128xi32, #tpu.memory_space<vmem>>
    %dma_wait3A_93 = arith.constant 0 : i32
    %dma_wait3A_94 = arith.constant 0 : i32
    %dma_wait3A_95 = tpu.memref_slice %arg2[%dma_wait3A_93, %dma_wait3A_94] : memref<10240x32xf32, #tpu.memory_space<hbm>> -> memref<10240x32xf32, #tpu.memory_space<hbm>>
    tpu.wait_indirect_dma semaphore(%arg19 : memref<!tpu.dma_semaphore, #tpu.memory_space<semaphore_mem>>) src(%dma_wait3A_95 : memref<10240x32xf32, #tpu.memory_space<hbm>>) dst(%arg12 : memref<128x32xf32, #tpu.memory_space<vmem>>)
    %dma_start3A_96 = arith.constant 2688 : i32
    %dma_start3A_97 = tpu.memref_slice %arg10[%dma_start3A_96] : memref<2816xi32, #tpu.memory_space<vmem>> -> memref<128xi32, #tpu.memory_space<vmem>>
    %dma_start3A_98 = arith.constant 0 : i32
    %dma_start3A_99 = arith.constant 0 : i32
    %dma_start3A_100 = tpu.memref_slice %arg16[%dma_start3A_98, %dma_start3A_99] : memref<10112x32xf32, #tpu.memory_space<vmem_shared>> -> memref<10112x32xf32, #tpu.memory_space<vmem_shared>>
    tpu.enqueue_indirect_dma source(%arg12 : memref<128x32xf32, #tpu.memory_space<vmem>>) target(%dma_start3A_100 : memref<10112x32xf32, #tpu.memory_space<vmem_shared>>) offsets(%dma_start3A_97 : memref<128xi32, #tpu.memory_space<vmem>>) semaphore(%arg23 : memref<!tpu.dma_semaphore, #tpu.memory_space<semaphore_mem>>) {add = true}
    %dma_start3A_101 = arith.constant 2688 : i32
    %dma_start3A_102 = tpu.memref_slice %arg10[%dma_start3A_101] : memref<2816xi32, #tpu.memory_space<vmem>> -> memref<128xi32, #tpu.memory_space<vmem>>
    %dma_start3A_103 = arith.constant 0 : i32
    %dma_start3A_104 = arith.constant 0 : i32
    %dma_start3A_105 = tpu.memref_slice %arg17[%dma_start3A_103, %dma_start3A_104] : memref<10112x16xf32, #tpu.memory_space<vmem_shared>> -> memref<10112x16xf32, #tpu.memory_space<vmem_shared>>
    tpu.enqueue_indirect_dma source(%arg15 : memref<128x16xf32, #tpu.memory_space<vmem>>) target(%dma_start3A_105 : memref<10112x16xf32, #tpu.memory_space<vmem_shared>>) offsets(%dma_start3A_102 : memref<128xi32, #tpu.memory_space<vmem>>) semaphore(%arg27 : memref<!tpu.dma_semaphore, #tpu.memory_space<semaphore_mem>>) {add = true}
    %dma_wait3A_106 = arith.constant 0 : i32
    %dma_wait3A_107 = tpu.memref_slice %arg9[%dma_wait3A_106] : memref<2816xi32, #tpu.memory_space<vmem>> -> memref<128xi32, #tpu.memory_space<vmem>>
    %dma_wait3A_108 = arith.constant 0 : i32
    %dma_wait3A_109 = arith.constant 0 : i32
    %dma_wait3A_110 = tpu.memref_slice %arg2[%dma_wait3A_108, %dma_wait3A_109] : memref<10240x32xf32, #tpu.memory_space<hbm>> -> memref<10240x32xf32, #tpu.memory_space<hbm>>
    tpu.wait_indirect_dma semaphore(%arg22 : memref<!tpu.dma_semaphore, #tpu.memory_space<semaphore_mem>>) src(%dma_wait3A_110 : memref<10240x32xf32, #tpu.memory_space<hbm>>) dst(%arg11 : memref<128x32xf32, #tpu.memory_space<vmem>>)
    tpu.wait_dma2 semaphore(%arg26 : memref<!tpu.dma_semaphore, #tpu.memory_space<semaphore_mem>>) src(%arg6 : memref<128x16xf32, #tpu.memory_space<hbm>>) dst(%arg15 : memref<128x16xf32, #tpu.memory_space<vmem>>)
    %dma_wait3A_111 = arith.constant 0 : i32
    %dma_wait3A_112 = tpu.memref_slice %arg9[%dma_wait3A_111] : memref<2816xi32, #tpu.memory_space<vmem>> -> memref<128xi32, #tpu.memory_space<vmem>>
    %dma_wait3A_113 = arith.constant 0 : i32
    %dma_wait3A_114 = arith.constant 0 : i32
    %dma_wait3A_115 = tpu.memref_slice %arg2[%dma_wait3A_113, %dma_wait3A_114] : memref<10240x32xf32, #tpu.memory_space<hbm>> -> memref<10240x32xf32, #tpu.memory_space<hbm>>
    tpu.wait_indirect_dma semaphore(%arg23 : memref<!tpu.dma_semaphore, #tpu.memory_space<semaphore_mem>>) src(%dma_wait3A_115 : memref<10240x32xf32, #tpu.memory_space<hbm>>) dst(%arg12 : memref<128x32xf32, #tpu.memory_space<vmem>>)
    tpu.wait_dma2 semaphore(%arg27 : memref<!tpu.dma_semaphore, #tpu.memory_space<semaphore_mem>>) src(%arg6 : memref<128x16xf32, #tpu.memory_space<hbm>>) dst(%arg15 : memref<128x16xf32, #tpu.memory_space<vmem>>)
    %barrier3A_116 = arith.constant 0 : index
    tpu.barrier barrier_id(%barrier3A_116)
    "tpu.region"() ({
      %run_scoped3A = tpu.sem_alloc : memref<!tpu.dma_semaphore, #tpu.memory_space<semaphore_mem>>
      %dma_start3A_117 = arith.constant 0 : i32
      %dma_start3A_118 = tpu.memref_slice %arg7[%arg0, %mul3A_2, %dma_start3A_117] : memref<2x10112x32xf32, #tpu.memory_space<hbm>> -> memref<1x632x32xf32, #tpu.memory_space<hbm>>
      %dma_start3A_119 = tpu.memref_squeeze %dma_start3A_118 : memref<1x632x32xf32, #tpu.memory_space<hbm>> -> memref<632x32xf32, #tpu.memory_space<hbm>>
      %dma_start3A_120 = arith.constant 0 : i32
      %dma_start3A_121 = tpu.memref_slice %arg16[%mul3A_2, %dma_start3A_120] : memref<10112x32xf32, #tpu.memory_space<vmem_shared>> -> memref<632x32xf32, #tpu.memory_space<vmem_shared>>
      tpu.enqueue_dma source(%dma_start3A_121 : memref<632x32xf32, #tpu.memory_space<vmem_shared>>) target(%dma_start3A_119 : memref<632x32xf32, #tpu.memory_space<hbm>>) target_semaphore(%run_scoped3A : memref<!tpu.dma_semaphore, #tpu.memory_space<semaphore_mem>>)
      %dma_wait3A_122 = arith.constant 0 : i32
      %dma_wait3A_123 = tpu.memref_slice %arg7[%arg0, %mul3A_2, %dma_wait3A_122] : memref<2x10112x32xf32, #tpu.memory_space<hbm>> -> memref<1x632x32xf32, #tpu.memory_space<hbm>>
      %dma_wait3A_124 = tpu.memref_squeeze %dma_wait3A_123 : memref<1x632x32xf32, #tpu.memory_space<hbm>> -> memref<632x32xf32, #tpu.memory_space<hbm>>
      %dma_wait3A_125 = arith.constant 0 : i32
      %dma_wait3A_126 = tpu.memref_slice %arg16[%mul3A_2, %dma_wait3A_125] : memref<10112x32xf32, #tpu.memory_space<vmem_shared>> -> memref<632x32xf32, #tpu.memory_space<vmem_shared>>
      tpu.wait_dma2 semaphore(%run_scoped3A : memref<!tpu.dma_semaphore, #tpu.memory_space<semaphore_mem>>) src(%dma_wait3A_126 : memref<632x32xf32, #tpu.memory_space<vmem_shared>>) dst(%dma_wait3A_124 : memref<632x32xf32, #tpu.memory_space<hbm>>)
      tpu.yield
    }) : () -> ()
    "tpu.region"() ({
      %run_scoped3A = tpu.sem_alloc : memref<!tpu.dma_semaphore, #tpu.memory_space<semaphore_mem>>
      %dma_start3A_117 = arith.constant 0 : i32
      %dma_start3A_118 = tpu.memref_slice %arg8[%arg0, %mul3A_2, %dma_start3A_117] : memref<2x10112x16xf32, #tpu.memory_space<hbm>> -> memref<1x632x16xf32, #tpu.memory_space<hbm>>
      %dma_start3A_119 = tpu.memref_squeeze %dma_start3A_118 : memref<1x632x16xf32, #tpu.memory_space<hbm>> -> memref<632x16xf32, #tpu.memory_space<hbm>>
      %dma_start3A_120 = arith.constant 0 : i32
      %dma_start3A_121 = tpu.memref_slice %arg17[%mul3A_2, %dma_start3A_120] : memref<10112x16xf32, #tpu.memory_space<vmem_shared>> -> memref<632x16xf32, #tpu.memory_space<vmem_shared>>
      tpu.enqueue_dma source(%dma_start3A_121 : memref<632x16xf32, #tpu.memory_space<vmem_shared>>) target(%dma_start3A_119 : memref<632x16xf32, #tpu.memory_space<hbm>>) target_semaphore(%run_scoped3A : memref<!tpu.dma_semaphore, #tpu.memory_space<semaphore_mem>>)
      %dma_wait3A_122 = arith.constant 0 : i32
      %dma_wait3A_123 = tpu.memref_slice %arg8[%arg0, %mul3A_2, %dma_wait3A_122] : memref<2x10112x16xf32, #tpu.memory_space<hbm>> -> memref<1x632x16xf32, #tpu.memory_space<hbm>>
      %dma_wait3A_124 = tpu.memref_squeeze %dma_wait3A_123 : memref<1x632x16xf32, #tpu.memory_space<hbm>> -> memref<632x16xf32, #tpu.memory_space<hbm>>
      %dma_wait3A_125 = arith.constant 0 : i32
      %dma_wait3A_126 = tpu.memref_slice %arg17[%mul3A_2, %dma_wait3A_125] : memref<10112x16xf32, #tpu.memory_space<vmem_shared>> -> memref<632x16xf32, #tpu.memory_space<vmem_shared>>
      tpu.wait_dma2 semaphore(%run_scoped3A : memref<!tpu.dma_semaphore, #tpu.memory_space<semaphore_mem>>) src(%dma_wait3A_126 : memref<632x16xf32, #tpu.memory_space<vmem_shared>>) dst(%dma_wait3A_124 : memref<632x16xf32, #tpu.memory_space<hbm>>)
      tpu.yield
    }) : () -> ()
    return
  }
}

#map = affine_map<(d0, d1) -> (0, 0, 0)>
#map1 = affine_map<(d0, d1) -> (0)>
module attributes {stable_mosaic.version = 14 : i64} {
  func.func @combine(%arg0: i32, %arg1: i32, %arg2: memref<2x10112x32xf32, #tpu.memory_space<hbm>>, %arg3: memref<2x10112x16xf32, #tpu.memory_space<hbm>>, %arg4: memref<320000xf32, #tpu.memory_space<hbm>>, %arg5: memref<328x32xf32, #tpu.memory_space<vmem>>, %arg6: memref<328x32xf32, #tpu.memory_space<vmem>>, %arg7: memref<328x16xf32, #tpu.memory_space<vmem>>, %arg8: memref<328x16xf32, #tpu.memory_space<vmem>>, %arg9: memref<10496xf32, #tpu.memory_space<vmem>>, %arg10: memref<!tpu.dma_semaphore, #tpu.memory_space<semaphore_mem>>, %arg11: memref<!tpu.dma_semaphore, #tpu.memory_space<semaphore_mem>>) attributes {dimension_semantics = [#tpu.dimension_semantics<core_parallel>, #tpu.dimension_semantics<subcore_parallel>], iteration_bounds = array<i64: 2, 16>, scalar_prefetch = 0 : i64, scratch_operands = 7 : i64, tpu.core_type = #tpu.core_type<sc_vector_subcore>, window_params = [{transform_indices = #map}, {transform_indices = #map}, {transform_indices = #map1}]} {
    %mul3A = arith.constant 16 : i32
    %mul3A_0 = arith.muli %arg0, %mul3A : i32
    %add3A = arith.addi %mul3A_0, %arg1 : i32
    %eq3A = arith.constant 0 : i32
    %eq3A_1 = arith.cmpi eq, %add3A, %eq3A : i32
    %jit3A = arith.constant 328 : i32
    %jit3A_2 = arith.constant 312 : i32
    %select_n3A = arith.select %eq3A_1, %jit3A, %jit3A_2 : i32
    %eq3A_3 = arith.constant 0 : i32
    %eq3A_4 = arith.cmpi eq, %add3A, %eq3A_3 : i32
    %mul3A_5 = arith.constant 312 : i32
    %mul3A_6 = arith.muli %add3A, %mul3A_5 : i32
    %add3A_7 = arith.constant 16 : i32
    %add3A_8 = arith.addi %mul3A_6, %add3A_7 : i32
    %jit3A_9 = arith.constant 0 : i32
    %select_n3A_10 = arith.select %eq3A_4, %jit3A_9, %add3A_8 : i32
    %eq3A_11 = arith.constant 0 : i32
    %eq3A_12 = arith.cmpi eq, %add3A, %eq3A_11 : i32
    %convert_element_type3A = arith.extui %eq3A_12 : i1 to i32
    %cond3A = arith.constant 0 : i32
    %cond3A_13 = arith.cmpi ne, %convert_element_type3A, %cond3A : i32
    scf.if %cond3A_13 {
      %dma_start3A = arith.constant 0 : i32
      %dma_start3A_18 = arith.constant 0 : i32
      %dma_start3A_19 = arith.constant 0 : i32
      %dma_start3A_20 = tpu.memref_slice %arg5[%dma_start3A_18, %dma_start3A_19] : memref<328x32xf32, #tpu.memory_space<vmem>> -> memref<328x32xf32, #tpu.memory_space<vmem>>
      %dma_start3A_21 = arith.constant 0 : i32
      %dma_start3A_22 = tpu.memref_slice %arg2[%dma_start3A, %select_n3A_10, %dma_start3A_21] : memref<2x10112x32xf32, #tpu.memory_space<hbm>> -> memref<1x328x32xf32, #tpu.memory_space<hbm>>
      %dma_start3A_23 = tpu.memref_squeeze %dma_start3A_22 : memref<1x328x32xf32, #tpu.memory_space<hbm>> -> memref<328x32xf32, #tpu.memory_space<hbm>>
      %dma_start3A_24 = arith.constant 0 : i32
      %dma_start3A_25 = arith.constant 0 : i32
      %dma_start3A_26 = tpu.memref_slice %arg5[%dma_start3A_24, %dma_start3A_25] : memref<328x32xf32, #tpu.memory_space<vmem>> -> memref<328x32xf32, #tpu.memory_space<vmem>>
      %dma_start3A_27 = arith.constant 0 : i32
      %dma_start3A_28 = tpu.memref_slice %arg2[%dma_start3A, %select_n3A_10, %dma_start3A_27] : memref<2x10112x32xf32, #tpu.memory_space<hbm>> -> memref<1x328x32xf32, #tpu.memory_space<hbm>>
      %dma_start3A_29 = tpu.memref_squeeze %dma_start3A_28 : memref<1x328x32xf32, #tpu.memory_space<hbm>> -> memref<328x32xf32, #tpu.memory_space<hbm>>
      tpu.enqueue_dma source(%dma_start3A_29 : memref<328x32xf32, #tpu.memory_space<hbm>>) target(%dma_start3A_26 : memref<328x32xf32, #tpu.memory_space<vmem>>) target_semaphore(%arg10 : memref<!tpu.dma_semaphore, #tpu.memory_space<semaphore_mem>>)
      %dma_start3A_30 = arith.constant 1 : i32
      %dma_start3A_31 = arith.constant 0 : i32
      %dma_start3A_32 = arith.constant 0 : i32
      %dma_start3A_33 = tpu.memref_slice %arg6[%dma_start3A_31, %dma_start3A_32] : memref<328x32xf32, #tpu.memory_space<vmem>> -> memref<328x32xf32, #tpu.memory_space<vmem>>
      %dma_start3A_34 = arith.constant 0 : i32
      %dma_start3A_35 = tpu.memref_slice %arg2[%dma_start3A_30, %select_n3A_10, %dma_start3A_34] : memref<2x10112x32xf32, #tpu.memory_space<hbm>> -> memref<1x328x32xf32, #tpu.memory_space<hbm>>
      %dma_start3A_36 = tpu.memref_squeeze %dma_start3A_35 : memref<1x328x32xf32, #tpu.memory_space<hbm>> -> memref<328x32xf32, #tpu.memory_space<hbm>>
      %dma_start3A_37 = arith.constant 0 : i32
      %dma_start3A_38 = arith.constant 0 : i32
      %dma_start3A_39 = tpu.memref_slice %arg6[%dma_start3A_37, %dma_start3A_38] : memref<328x32xf32, #tpu.memory_space<vmem>> -> memref<328x32xf32, #tpu.memory_space<vmem>>
      %dma_start3A_40 = arith.constant 0 : i32
      %dma_start3A_41 = tpu.memref_slice %arg2[%dma_start3A_30, %select_n3A_10, %dma_start3A_40] : memref<2x10112x32xf32, #tpu.memory_space<hbm>> -> memref<1x328x32xf32, #tpu.memory_space<hbm>>
      %dma_start3A_42 = tpu.memref_squeeze %dma_start3A_41 : memref<1x328x32xf32, #tpu.memory_space<hbm>> -> memref<328x32xf32, #tpu.memory_space<hbm>>
      tpu.enqueue_dma source(%dma_start3A_42 : memref<328x32xf32, #tpu.memory_space<hbm>>) target(%dma_start3A_39 : memref<328x32xf32, #tpu.memory_space<vmem>>) target_semaphore(%arg10 : memref<!tpu.dma_semaphore, #tpu.memory_space<semaphore_mem>>)
      %dma_start3A_43 = arith.constant 0 : i32
      %dma_start3A_44 = arith.constant 0 : i32
      %dma_start3A_45 = arith.constant 0 : i32
      %dma_start3A_46 = tpu.memref_slice %arg7[%dma_start3A_44, %dma_start3A_45] : memref<328x16xf32, #tpu.memory_space<vmem>> -> memref<328x16xf32, #tpu.memory_space<vmem>>
      %dma_start3A_47 = arith.constant 0 : i32
      %dma_start3A_48 = tpu.memref_slice %arg3[%dma_start3A_43, %select_n3A_10, %dma_start3A_47] : memref<2x10112x16xf32, #tpu.memory_space<hbm>> -> memref<1x328x16xf32, #tpu.memory_space<hbm>>
      %dma_start3A_49 = tpu.memref_squeeze %dma_start3A_48 : memref<1x328x16xf32, #tpu.memory_space<hbm>> -> memref<328x16xf32, #tpu.memory_space<hbm>>
      %dma_start3A_50 = arith.constant 0 : i32
      %dma_start3A_51 = arith.constant 0 : i32
      %dma_start3A_52 = tpu.memref_slice %arg7[%dma_start3A_50, %dma_start3A_51] : memref<328x16xf32, #tpu.memory_space<vmem>> -> memref<328x16xf32, #tpu.memory_space<vmem>>
      %dma_start3A_53 = arith.constant 0 : i32
      %dma_start3A_54 = tpu.memref_slice %arg3[%dma_start3A_43, %select_n3A_10, %dma_start3A_53] : memref<2x10112x16xf32, #tpu.memory_space<hbm>> -> memref<1x328x16xf32, #tpu.memory_space<hbm>>
      %dma_start3A_55 = tpu.memref_squeeze %dma_start3A_54 : memref<1x328x16xf32, #tpu.memory_space<hbm>> -> memref<328x16xf32, #tpu.memory_space<hbm>>
      tpu.enqueue_dma source(%dma_start3A_55 : memref<328x16xf32, #tpu.memory_space<hbm>>) target(%dma_start3A_52 : memref<328x16xf32, #tpu.memory_space<vmem>>) target_semaphore(%arg11 : memref<!tpu.dma_semaphore, #tpu.memory_space<semaphore_mem>>)
      %dma_start3A_56 = arith.constant 1 : i32
      %dma_start3A_57 = arith.constant 0 : i32
      %dma_start3A_58 = arith.constant 0 : i32
      %dma_start3A_59 = tpu.memref_slice %arg8[%dma_start3A_57, %dma_start3A_58] : memref<328x16xf32, #tpu.memory_space<vmem>> -> memref<328x16xf32, #tpu.memory_space<vmem>>
      %dma_start3A_60 = arith.constant 0 : i32
      %dma_start3A_61 = tpu.memref_slice %arg3[%dma_start3A_56, %select_n3A_10, %dma_start3A_60] : memref<2x10112x16xf32, #tpu.memory_space<hbm>> -> memref<1x328x16xf32, #tpu.memory_space<hbm>>
      %dma_start3A_62 = tpu.memref_squeeze %dma_start3A_61 : memref<1x328x16xf32, #tpu.memory_space<hbm>> -> memref<328x16xf32, #tpu.memory_space<hbm>>
      %dma_start3A_63 = arith.constant 0 : i32
      %dma_start3A_64 = arith.constant 0 : i32
      %dma_start3A_65 = tpu.memref_slice %arg8[%dma_start3A_63, %dma_start3A_64] : memref<328x16xf32, #tpu.memory_space<vmem>> -> memref<328x16xf32, #tpu.memory_space<vmem>>
      %dma_start3A_66 = arith.constant 0 : i32
      %dma_start3A_67 = tpu.memref_slice %arg3[%dma_start3A_56, %select_n3A_10, %dma_start3A_66] : memref<2x10112x16xf32, #tpu.memory_space<hbm>> -> memref<1x328x16xf32, #tpu.memory_space<hbm>>
      %dma_start3A_68 = tpu.memref_squeeze %dma_start3A_67 : memref<1x328x16xf32, #tpu.memory_space<hbm>> -> memref<328x16xf32, #tpu.memory_space<hbm>>
      tpu.enqueue_dma source(%dma_start3A_68 : memref<328x16xf32, #tpu.memory_space<hbm>>) target(%dma_start3A_65 : memref<328x16xf32, #tpu.memory_space<vmem>>) target_semaphore(%arg11 : memref<!tpu.dma_semaphore, #tpu.memory_space<semaphore_mem>>)
      %dma_wait3A = arith.constant 0 : i32
      %dma_wait3A_69 = arith.constant 0 : i32
      %dma_wait3A_70 = arith.constant 0 : i32
      %dma_wait3A_71 = tpu.memref_slice %arg5[%dma_wait3A_69, %dma_wait3A_70] : memref<328x32xf32, #tpu.memory_space<vmem>> -> memref<328x32xf32, #tpu.memory_space<vmem>>
      %dma_wait3A_72 = arith.constant 0 : i32
      %dma_wait3A_73 = tpu.memref_slice %arg2[%dma_wait3A, %select_n3A_10, %dma_wait3A_72] : memref<2x10112x32xf32, #tpu.memory_space<hbm>> -> memref<1x328x32xf32, #tpu.memory_space<hbm>>
      %dma_wait3A_74 = tpu.memref_squeeze %dma_wait3A_73 : memref<1x328x32xf32, #tpu.memory_space<hbm>> -> memref<328x32xf32, #tpu.memory_space<hbm>>
      %dma_wait3A_75 = arith.constant 0 : i32
      %dma_wait3A_76 = arith.constant 0 : i32
      %dma_wait3A_77 = tpu.memref_slice %arg5[%dma_wait3A_75, %dma_wait3A_76] : memref<328x32xf32, #tpu.memory_space<vmem>> -> memref<328x32xf32, #tpu.memory_space<vmem>>
      %dma_wait3A_78 = arith.constant 0 : i32
      %dma_wait3A_79 = tpu.memref_slice %arg2[%dma_wait3A, %select_n3A_10, %dma_wait3A_78] : memref<2x10112x32xf32, #tpu.memory_space<hbm>> -> memref<1x328x32xf32, #tpu.memory_space<hbm>>
      %dma_wait3A_80 = tpu.memref_squeeze %dma_wait3A_79 : memref<1x328x32xf32, #tpu.memory_space<hbm>> -> memref<328x32xf32, #tpu.memory_space<hbm>>
      tpu.wait_dma2 semaphore(%arg10 : memref<!tpu.dma_semaphore, #tpu.memory_space<semaphore_mem>>) src(%dma_wait3A_80 : memref<328x32xf32, #tpu.memory_space<hbm>>) dst(%dma_wait3A_77 : memref<328x32xf32, #tpu.memory_space<vmem>>)
      %dma_wait3A_81 = arith.constant 1 : i32
      %dma_wait3A_82 = arith.constant 0 : i32
      %dma_wait3A_83 = arith.constant 0 : i32
      %dma_wait3A_84 = tpu.memref_slice %arg6[%dma_wait3A_82, %dma_wait3A_83] : memref<328x32xf32, #tpu.memory_space<vmem>> -> memref<328x32xf32, #tpu.memory_space<vmem>>
      %dma_wait3A_85 = arith.constant 0 : i32
      %dma_wait3A_86 = tpu.memref_slice %arg2[%dma_wait3A_81, %select_n3A_10, %dma_wait3A_85] : memref<2x10112x32xf32, #tpu.memory_space<hbm>> -> memref<1x328x32xf32, #tpu.memory_space<hbm>>
      %dma_wait3A_87 = tpu.memref_squeeze %dma_wait3A_86 : memref<1x328x32xf32, #tpu.memory_space<hbm>> -> memref<328x32xf32, #tpu.memory_space<hbm>>
      %dma_wait3A_88 = arith.constant 0 : i32
      %dma_wait3A_89 = arith.constant 0 : i32
      %dma_wait3A_90 = tpu.memref_slice %arg6[%dma_wait3A_88, %dma_wait3A_89] : memref<328x32xf32, #tpu.memory_space<vmem>> -> memref<328x32xf32, #tpu.memory_space<vmem>>
      %dma_wait3A_91 = arith.constant 0 : i32
      %dma_wait3A_92 = tpu.memref_slice %arg2[%dma_wait3A_81, %select_n3A_10, %dma_wait3A_91] : memref<2x10112x32xf32, #tpu.memory_space<hbm>> -> memref<1x328x32xf32, #tpu.memory_space<hbm>>
      %dma_wait3A_93 = tpu.memref_squeeze %dma_wait3A_92 : memref<1x328x32xf32, #tpu.memory_space<hbm>> -> memref<328x32xf32, #tpu.memory_space<hbm>>
      tpu.wait_dma2 semaphore(%arg10 : memref<!tpu.dma_semaphore, #tpu.memory_space<semaphore_mem>>) src(%dma_wait3A_93 : memref<328x32xf32, #tpu.memory_space<hbm>>) dst(%dma_wait3A_90 : memref<328x32xf32, #tpu.memory_space<vmem>>)
      %dma_wait3A_94 = arith.constant 0 : i32
      %dma_wait3A_95 = arith.constant 0 : i32
      %dma_wait3A_96 = arith.constant 0 : i32
      %dma_wait3A_97 = tpu.memref_slice %arg7[%dma_wait3A_95, %dma_wait3A_96] : memref<328x16xf32, #tpu.memory_space<vmem>> -> memref<328x16xf32, #tpu.memory_space<vmem>>
      %dma_wait3A_98 = arith.constant 0 : i32
      %dma_wait3A_99 = tpu.memref_slice %arg3[%dma_wait3A_94, %select_n3A_10, %dma_wait3A_98] : memref<2x10112x16xf32, #tpu.memory_space<hbm>> -> memref<1x328x16xf32, #tpu.memory_space<hbm>>
      %dma_wait3A_100 = tpu.memref_squeeze %dma_wait3A_99 : memref<1x328x16xf32, #tpu.memory_space<hbm>> -> memref<328x16xf32, #tpu.memory_space<hbm>>
      %dma_wait3A_101 = arith.constant 0 : i32
      %dma_wait3A_102 = arith.constant 0 : i32
      %dma_wait3A_103 = tpu.memref_slice %arg7[%dma_wait3A_101, %dma_wait3A_102] : memref<328x16xf32, #tpu.memory_space<vmem>> -> memref<328x16xf32, #tpu.memory_space<vmem>>
      %dma_wait3A_104 = arith.constant 0 : i32
      %dma_wait3A_105 = tpu.memref_slice %arg3[%dma_wait3A_94, %select_n3A_10, %dma_wait3A_104] : memref<2x10112x16xf32, #tpu.memory_space<hbm>> -> memref<1x328x16xf32, #tpu.memory_space<hbm>>
      %dma_wait3A_106 = tpu.memref_squeeze %dma_wait3A_105 : memref<1x328x16xf32, #tpu.memory_space<hbm>> -> memref<328x16xf32, #tpu.memory_space<hbm>>
      tpu.wait_dma2 semaphore(%arg11 : memref<!tpu.dma_semaphore, #tpu.memory_space<semaphore_mem>>) src(%dma_wait3A_106 : memref<328x16xf32, #tpu.memory_space<hbm>>) dst(%dma_wait3A_103 : memref<328x16xf32, #tpu.memory_space<vmem>>)
      %dma_wait3A_107 = arith.constant 1 : i32
      %dma_wait3A_108 = arith.constant 0 : i32
      %dma_wait3A_109 = arith.constant 0 : i32
      %dma_wait3A_110 = tpu.memref_slice %arg8[%dma_wait3A_108, %dma_wait3A_109] : memref<328x16xf32, #tpu.memory_space<vmem>> -> memref<328x16xf32, #tpu.memory_space<vmem>>
      %dma_wait3A_111 = arith.constant 0 : i32
      %dma_wait3A_112 = tpu.memref_slice %arg3[%dma_wait3A_107, %select_n3A_10, %dma_wait3A_111] : memref<2x10112x16xf32, #tpu.memory_space<hbm>> -> memref<1x328x16xf32, #tpu.memory_space<hbm>>
      %dma_wait3A_113 = tpu.memref_squeeze %dma_wait3A_112 : memref<1x328x16xf32, #tpu.memory_space<hbm>> -> memref<328x16xf32, #tpu.memory_space<hbm>>
      %dma_wait3A_114 = arith.constant 0 : i32
      %dma_wait3A_115 = arith.constant 0 : i32
      %dma_wait3A_116 = tpu.memref_slice %arg8[%dma_wait3A_114, %dma_wait3A_115] : memref<328x16xf32, #tpu.memory_space<vmem>> -> memref<328x16xf32, #tpu.memory_space<vmem>>
      %dma_wait3A_117 = arith.constant 0 : i32
      %dma_wait3A_118 = tpu.memref_slice %arg3[%dma_wait3A_107, %select_n3A_10, %dma_wait3A_117] : memref<2x10112x16xf32, #tpu.memory_space<hbm>> -> memref<1x328x16xf32, #tpu.memory_space<hbm>>
      %dma_wait3A_119 = tpu.memref_squeeze %dma_wait3A_118 : memref<1x328x16xf32, #tpu.memory_space<hbm>> -> memref<328x16xf32, #tpu.memory_space<hbm>>
      tpu.wait_dma2 semaphore(%arg11 : memref<!tpu.dma_semaphore, #tpu.memory_space<semaphore_mem>>) src(%dma_wait3A_119 : memref<328x16xf32, #tpu.memory_space<hbm>>) dst(%dma_wait3A_116 : memref<328x16xf32, #tpu.memory_space<vmem>>)
      %parallel_loop3A = arith.constant 0 : i32
      %parallel_loop3A_120 = arith.constant 328 : i32
      %parallel_loop3A_121 = arith.constant 1 : i32
      scf.for %parallel_loop3A_124 = %parallel_loop3A to %parallel_loop3A_120 step %parallel_loop3A_121  : i32 {
        %parallel_loop3A_125 = arith.index_cast %parallel_loop3A_124 : i32 to index
        %parallel_loop3A_126 = arith.constant 0 : index
        %parallel_loop3A_127 = tpu.vector_load %arg7[%parallel_loop3A_125, %parallel_loop3A_126] {strides = array<i32>} : memref<328x16xf32, #tpu.memory_space<vmem>>, vector<1x16xf32>,
        %parallel_loop3A_128 = vector.shape_cast %parallel_loop3A_127 : vector<1x16xf32> to vector<16xf32>
        %parallel_loop3A_129 = arith.index_cast %parallel_loop3A_124 : i32 to index
        %parallel_loop3A_130 = arith.constant 0 : index
        %parallel_loop3A_131 = tpu.vector_load %arg8[%parallel_loop3A_129, %parallel_loop3A_130] {strides = array<i32>} : memref<328x16xf32, #tpu.memory_space<vmem>>, vector<1x16xf32>,
        %parallel_loop3A_132 = vector.shape_cast %parallel_loop3A_131 : vector<1x16xf32> to vector<16xf32>
        %parallel_loop3A_133 = arith.addf %parallel_loop3A_128, %parallel_loop3A_132 : vector<16xf32>
        %parallel_loop3A_134 = arith.constant 1.000000e+00 : f32
        %parallel_loop3A_135 = vector.broadcast %parallel_loop3A_134 : f32 to vector<16xf32>
        %parallel_loop3A_136 = arith.maximumf %parallel_loop3A_133, %parallel_loop3A_135 : vector<16xf32>
        %parallel_loop3A_137 = arith.constant 1.000000e+00 : f32
        %parallel_loop3A_138 = vector.broadcast %parallel_loop3A_137 : f32 to vector<16xf32>
        %parallel_loop3A_139 = arith.divf %parallel_loop3A_138, %parallel_loop3A_136 : vector<16xf32>
        %parallel_loop3A_140 = arith.index_cast %parallel_loop3A_124 : i32 to index
        %parallel_loop3A_141 = arith.constant 0 : index
        %parallel_loop3A_142 = tpu.vector_load %arg5[%parallel_loop3A_140, %parallel_loop3A_141] {strides = array<i32>} : memref<328x32xf32, #tpu.memory_space<vmem>>, vector<1x16xf32>,
        %parallel_loop3A_143 = vector.shape_cast %parallel_loop3A_142 : vector<1x16xf32> to vector<16xf32>
        %parallel_loop3A_144 = arith.index_cast %parallel_loop3A_124 : i32 to index
        %parallel_loop3A_145 = arith.constant 0 : index
        %parallel_loop3A_146 = tpu.vector_load %arg6[%parallel_loop3A_144, %parallel_loop3A_145] {strides = array<i32>} : memref<328x32xf32, #tpu.memory_space<vmem>>, vector<1x16xf32>,
        %parallel_loop3A_147 = vector.shape_cast %parallel_loop3A_146 : vector<1x16xf32> to vector<16xf32>
        %parallel_loop3A_148 = arith.addf %parallel_loop3A_143, %parallel_loop3A_147 : vector<16xf32>
        %parallel_loop3A_149 = arith.mulf %parallel_loop3A_148, %parallel_loop3A_139 : vector<16xf32>
        %parallel_loop3A_150 = arith.constant 32 : i32
        %parallel_loop3A_151 = arith.muli %parallel_loop3A_124, %parallel_loop3A_150 : i32
        %parallel_loop3A_152 = arith.index_cast %parallel_loop3A_151 : i32 to index
        %parallel_loop3A_153 = tpu.vector_load %arg9[%parallel_loop3A_152] {strides = array<i32>} : memref<10496xf32, #tpu.memory_space<vmem>>, vector<16xf32>,
        %parallel_loop3A_154 = vector.shape_cast %parallel_loop3A_153 : vector<16xf32> to vector<16xf32>
        %parallel_loop3A_155 = vector.shape_cast %parallel_loop3A_149 : vector<16xf32> to vector<16xf32>
        tpu.vector_store %arg9[%parallel_loop3A_152], %parallel_loop3A_155 {strides = array<i32>} : memref<10496xf32, #tpu.memory_space<vmem>>, vector<16xf32>,
        %parallel_loop3A_156 = arith.index_cast %parallel_loop3A_124 : i32 to index
        %parallel_loop3A_157 = arith.constant 16 : index
        %parallel_loop3A_158 = tpu.vector_load %arg5[%parallel_loop3A_156, %parallel_loop3A_157] {strides = array<i32>} : memref<328x32xf32, #tpu.memory_space<vmem>>, vector<1x16xf32>,
        %parallel_loop3A_159 = vector.shape_cast %parallel_loop3A_158 : vector<1x16xf32> to vector<16xf32>
        %parallel_loop3A_160 = arith.index_cast %parallel_loop3A_124 : i32 to index
        %parallel_loop3A_161 = arith.constant 16 : index
        %parallel_loop3A_162 = tpu.vector_load %arg6[%parallel_loop3A_160, %parallel_loop3A_161] {strides = array<i32>} : memref<328x32xf32, #tpu.memory_space<vmem>>, vector<1x16xf32>,
        %parallel_loop3A_163 = vector.shape_cast %parallel_loop3A_162 : vector<1x16xf32> to vector<16xf32>
        %parallel_loop3A_164 = arith.addf %parallel_loop3A_159, %parallel_loop3A_163 : vector<16xf32>
        %parallel_loop3A_165 = arith.mulf %parallel_loop3A_164, %parallel_loop3A_139 : vector<16xf32>
        %parallel_loop3A_166 = arith.constant 32 : i32
        %parallel_loop3A_167 = arith.muli %parallel_loop3A_124, %parallel_loop3A_166 : i32
        %parallel_loop3A_168 = arith.constant 16 : i32
        %parallel_loop3A_169 = arith.addi %parallel_loop3A_167, %parallel_loop3A_168 : i32
        %parallel_loop3A_170 = arith.index_cast %parallel_loop3A_169 : i32 to index
        %parallel_loop3A_171 = tpu.vector_load %arg9[%parallel_loop3A_170] {strides = array<i32>} : memref<10496xf32, #tpu.memory_space<vmem>>, vector<16xf32>,
        %parallel_loop3A_172 = vector.shape_cast %parallel_loop3A_171 : vector<16xf32> to vector<16xf32>
        %parallel_loop3A_173 = vector.shape_cast %parallel_loop3A_165 : vector<16xf32> to vector<16xf32>
        tpu.vector_store %arg9[%parallel_loop3A_170], %parallel_loop3A_173 {strides = array<i32>} : memref<10496xf32, #tpu.memory_space<vmem>>, vector<16xf32>,
      } {sc.loop_unroll_factor = 4 : i64, sc.parallel_access}
      %mul3A_122 = arith.constant 32 : i32
      %mul3A_123 = arith.muli %select_n3A_10, %mul3A_122 : i32
      "tpu.region"() ({
        %run_scoped3A = tpu.sem_alloc : memref<!tpu.dma_semaphore, #tpu.memory_space<semaphore_mem>>
        %dma_start3A_124 = arith.constant 0 : i32
        %dma_start3A_125 = tpu.memref_slice %arg9[%dma_start3A_124] : memref<10496xf32, #tpu.memory_space<vmem>> -> memref<10496xf32, #tpu.memory_space<vmem>>
        %dma_start3A_126 = tpu.memref_slice %arg4[%mul3A_123] : memref<320000xf32, #tpu.memory_space<hbm>> -> memref<10496xf32, #tpu.memory_space<hbm>>
        %dma_start3A_127 = tpu.memref_slice %arg4[%mul3A_123] : memref<320000xf32, #tpu.memory_space<hbm>> -> memref<10496xf32, #tpu.memory_space<hbm>>
        %dma_start3A_128 = arith.constant 0 : i32
        %dma_start3A_129 = tpu.memref_slice %arg9[%dma_start3A_128] : memref<10496xf32, #tpu.memory_space<vmem>> -> memref<10496xf32, #tpu.memory_space<vmem>>
        tpu.enqueue_dma source(%dma_start3A_129 : memref<10496xf32, #tpu.memory_space<vmem>>) target(%dma_start3A_127 : memref<10496xf32, #tpu.memory_space<hbm>>) target_semaphore(%run_scoped3A : memref<!tpu.dma_semaphore, #tpu.memory_space<semaphore_mem>>)
        %dma_wait3A_130 = arith.constant 0 : i32
        %dma_wait3A_131 = tpu.memref_slice %arg9[%dma_wait3A_130] : memref<10496xf32, #tpu.memory_space<vmem>> -> memref<10496xf32, #tpu.memory_space<vmem>>
        %dma_wait3A_132 = tpu.memref_slice %arg4[%mul3A_123] : memref<320000xf32, #tpu.memory_space<hbm>> -> memref<10496xf32, #tpu.memory_space<hbm>>
        %dma_wait3A_133 = tpu.memref_slice %arg4[%mul3A_123] : memref<320000xf32, #tpu.memory_space<hbm>> -> memref<10496xf32, #tpu.memory_space<hbm>>
        %dma_wait3A_134 = arith.constant 0 : i32
        %dma_wait3A_135 = tpu.memref_slice %arg9[%dma_wait3A_134] : memref<10496xf32, #tpu.memory_space<vmem>> -> memref<10496xf32, #tpu.memory_space<vmem>>
        tpu.wait_dma2 semaphore(%run_scoped3A : memref<!tpu.dma_semaphore, #tpu.memory_space<semaphore_mem>>) src(%dma_wait3A_135 : memref<10496xf32, #tpu.memory_space<vmem>>) dst(%dma_wait3A_133 : memref<10496xf32, #tpu.memory_space<hbm>>)
        tpu.yield
      }) : () -> ()
    } else {
    }
    %ne3A = arith.constant 0 : i32
    %ne3A_14 = arith.cmpi ne, %add3A, %ne3A : i32
    %convert_element_type3A_15 = arith.extui %ne3A_14 : i1 to i32
    %cond3A_16 = arith.constant 0 : i32
    %cond3A_17 = arith.cmpi ne, %convert_element_type3A_15, %cond3A_16 : i32
    scf.if %cond3A_17 {
      %dma_start3A = arith.constant 0 : i32
      %dma_start3A_18 = arith.constant 0 : i32
      %dma_start3A_19 = arith.constant 0 : i32
      %dma_start3A_20 = tpu.memref_slice %arg5[%dma_start3A_18, %dma_start3A_19] : memref<328x32xf32, #tpu.memory_space<vmem>> -> memref<312x32xf32, #tpu.memory_space<vmem>>
      %dma_start3A_21 = arith.constant 0 : i32
      %dma_start3A_22 = tpu.memref_slice %arg2[%dma_start3A, %select_n3A_10, %dma_start3A_21] : memref<2x10112x32xf32, #tpu.memory_space<hbm>> -> memref<1x312x32xf32, #tpu.memory_space<hbm>>
      %dma_start3A_23 = tpu.memref_squeeze %dma_start3A_22 : memref<1x312x32xf32, #tpu.memory_space<hbm>> -> memref<312x32xf32, #tpu.memory_space<hbm>>
      %dma_start3A_24 = arith.constant 0 : i32
      %dma_start3A_25 = arith.constant 0 : i32
      %dma_start3A_26 = tpu.memref_slice %arg5[%dma_start3A_24, %dma_start3A_25] : memref<328x32xf32, #tpu.memory_space<vmem>> -> memref<312x32xf32, #tpu.memory_space<vmem>>
      %dma_start3A_27 = arith.constant 0 : i32
      %dma_start3A_28 = tpu.memref_slice %arg2[%dma_start3A, %select_n3A_10, %dma_start3A_27] : memref<2x10112x32xf32, #tpu.memory_space<hbm>> -> memref<1x312x32xf32, #tpu.memory_space<hbm>>
      %dma_start3A_29 = tpu.memref_squeeze %dma_start3A_28 : memref<1x312x32xf32, #tpu.memory_space<hbm>> -> memref<312x32xf32, #tpu.memory_space<hbm>>
      tpu.enqueue_dma source(%dma_start3A_29 : memref<312x32xf32, #tpu.memory_space<hbm>>) target(%dma_start3A_26 : memref<312x32xf32, #tpu.memory_space<vmem>>) target_semaphore(%arg10 : memref<!tpu.dma_semaphore, #tpu.memory_space<semaphore_mem>>)
      %dma_start3A_30 = arith.constant 1 : i32
      %dma_start3A_31 = arith.constant 0 : i32
      %dma_start3A_32 = arith.constant 0 : i32
      %dma_start3A_33 = tpu.memref_slice %arg6[%dma_start3A_31, %dma_start3A_32] : memref<328x32xf32, #tpu.memory_space<vmem>> -> memref<312x32xf32, #tpu.memory_space<vmem>>
      %dma_start3A_34 = arith.constant 0 : i32
      %dma_start3A_35 = tpu.memref_slice %arg2[%dma_start3A_30, %select_n3A_10, %dma_start3A_34] : memref<2x10112x32xf32, #tpu.memory_space<hbm>> -> memref<1x312x32xf32, #tpu.memory_space<hbm>>
      %dma_start3A_36 = tpu.memref_squeeze %dma_start3A_35 : memref<1x312x32xf32, #tpu.memory_space<hbm>> -> memref<312x32xf32, #tpu.memory_space<hbm>>
      %dma_start3A_37 = arith.constant 0 : i32
      %dma_start3A_38 = arith.constant 0 : i32
      %dma_start3A_39 = tpu.memref_slice %arg6[%dma_start3A_37, %dma_start3A_38] : memref<328x32xf32, #tpu.memory_space<vmem>> -> memref<312x32xf32, #tpu.memory_space<vmem>>
      %dma_start3A_40 = arith.constant 0 : i32
      %dma_start3A_41 = tpu.memref_slice %arg2[%dma_start3A_30, %select_n3A_10, %dma_start3A_40] : memref<2x10112x32xf32, #tpu.memory_space<hbm>> -> memref<1x312x32xf32, #tpu.memory_space<hbm>>
      %dma_start3A_42 = tpu.memref_squeeze %dma_start3A_41 : memref<1x312x32xf32, #tpu.memory_space<hbm>> -> memref<312x32xf32, #tpu.memory_space<hbm>>
      tpu.enqueue_dma source(%dma_start3A_42 : memref<312x32xf32, #tpu.memory_space<hbm>>) target(%dma_start3A_39 : memref<312x32xf32, #tpu.memory_space<vmem>>) target_semaphore(%arg10 : memref<!tpu.dma_semaphore, #tpu.memory_space<semaphore_mem>>)
      %dma_start3A_43 = arith.constant 0 : i32
      %dma_start3A_44 = arith.constant 0 : i32
      %dma_start3A_45 = arith.constant 0 : i32
      %dma_start3A_46 = tpu.memref_slice %arg7[%dma_start3A_44, %dma_start3A_45] : memref<328x16xf32, #tpu.memory_space<vmem>> -> memref<312x16xf32, #tpu.memory_space<vmem>>
      %dma_start3A_47 = arith.constant 0 : i32
      %dma_start3A_48 = tpu.memref_slice %arg3[%dma_start3A_43, %select_n3A_10, %dma_start3A_47] : memref<2x10112x16xf32, #tpu.memory_space<hbm>> -> memref<1x312x16xf32, #tpu.memory_space<hbm>>
      %dma_start3A_49 = tpu.memref_squeeze %dma_start3A_48 : memref<1x312x16xf32, #tpu.memory_space<hbm>> -> memref<312x16xf32, #tpu.memory_space<hbm>>
      %dma_start3A_50 = arith.constant 0 : i32
      %dma_start3A_51 = arith.constant 0 : i32
      %dma_start3A_52 = tpu.memref_slice %arg7[%dma_start3A_50, %dma_start3A_51] : memref<328x16xf32, #tpu.memory_space<vmem>> -> memref<312x16xf32, #tpu.memory_space<vmem>>
      %dma_start3A_53 = arith.constant 0 : i32
      %dma_start3A_54 = tpu.memref_slice %arg3[%dma_start3A_43, %select_n3A_10, %dma_start3A_53] : memref<2x10112x16xf32, #tpu.memory_space<hbm>> -> memref<1x312x16xf32, #tpu.memory_space<hbm>>
      %dma_start3A_55 = tpu.memref_squeeze %dma_start3A_54 : memref<1x312x16xf32, #tpu.memory_space<hbm>> -> memref<312x16xf32, #tpu.memory_space<hbm>>
      tpu.enqueue_dma source(%dma_start3A_55 : memref<312x16xf32, #tpu.memory_space<hbm>>) target(%dma_start3A_52 : memref<312x16xf32, #tpu.memory_space<vmem>>) target_semaphore(%arg11 : memref<!tpu.dma_semaphore, #tpu.memory_space<semaphore_mem>>)
      %dma_start3A_56 = arith.constant 1 : i32
      %dma_start3A_57 = arith.constant 0 : i32
      %dma_start3A_58 = arith.constant 0 : i32
      %dma_start3A_59 = tpu.memref_slice %arg8[%dma_start3A_57, %dma_start3A_58] : memref<328x16xf32, #tpu.memory_space<vmem>> -> memref<312x16xf32, #tpu.memory_space<vmem>>
      %dma_start3A_60 = arith.constant 0 : i32
      %dma_start3A_61 = tpu.memref_slice %arg3[%dma_start3A_56, %select_n3A_10, %dma_start3A_60] : memref<2x10112x16xf32, #tpu.memory_space<hbm>> -> memref<1x312x16xf32, #tpu.memory_space<hbm>>
      %dma_start3A_62 = tpu.memref_squeeze %dma_start3A_61 : memref<1x312x16xf32, #tpu.memory_space<hbm>> -> memref<312x16xf32, #tpu.memory_space<hbm>>
      %dma_start3A_63 = arith.constant 0 : i32
      %dma_start3A_64 = arith.constant 0 : i32
      %dma_start3A_65 = tpu.memref_slice %arg8[%dma_start3A_63, %dma_start3A_64] : memref<328x16xf32, #tpu.memory_space<vmem>> -> memref<312x16xf32, #tpu.memory_space<vmem>>
      %dma_start3A_66 = arith.constant 0 : i32
      %dma_start3A_67 = tpu.memref_slice %arg3[%dma_start3A_56, %select_n3A_10, %dma_start3A_66] : memref<2x10112x16xf32, #tpu.memory_space<hbm>> -> memref<1x312x16xf32, #tpu.memory_space<hbm>>
      %dma_start3A_68 = tpu.memref_squeeze %dma_start3A_67 : memref<1x312x16xf32, #tpu.memory_space<hbm>> -> memref<312x16xf32, #tpu.memory_space<hbm>>
      tpu.enqueue_dma source(%dma_start3A_68 : memref<312x16xf32, #tpu.memory_space<hbm>>) target(%dma_start3A_65 : memref<312x16xf32, #tpu.memory_space<vmem>>) target_semaphore(%arg11 : memref<!tpu.dma_semaphore, #tpu.memory_space<semaphore_mem>>)
      %dma_wait3A = arith.constant 0 : i32
      %dma_wait3A_69 = arith.constant 0 : i32
      %dma_wait3A_70 = arith.constant 0 : i32
      %dma_wait3A_71 = tpu.memref_slice %arg5[%dma_wait3A_69, %dma_wait3A_70] : memref<328x32xf32, #tpu.memory_space<vmem>> -> memref<312x32xf32, #tpu.memory_space<vmem>>
      %dma_wait3A_72 = arith.constant 0 : i32
      %dma_wait3A_73 = tpu.memref_slice %arg2[%dma_wait3A, %select_n3A_10, %dma_wait3A_72] : memref<2x10112x32xf32, #tpu.memory_space<hbm>> -> memref<1x312x32xf32, #tpu.memory_space<hbm>>
      %dma_wait3A_74 = tpu.memref_squeeze %dma_wait3A_73 : memref<1x312x32xf32, #tpu.memory_space<hbm>> -> memref<312x32xf32, #tpu.memory_space<hbm>>
      %dma_wait3A_75 = arith.constant 0 : i32
      %dma_wait3A_76 = arith.constant 0 : i32
      %dma_wait3A_77 = tpu.memref_slice %arg5[%dma_wait3A_75, %dma_wait3A_76] : memref<328x32xf32, #tpu.memory_space<vmem>> -> memref<312x32xf32, #tpu.memory_space<vmem>>
      %dma_wait3A_78 = arith.constant 0 : i32
      %dma_wait3A_79 = tpu.memref_slice %arg2[%dma_wait3A, %select_n3A_10, %dma_wait3A_78] : memref<2x10112x32xf32, #tpu.memory_space<hbm>> -> memref<1x312x32xf32, #tpu.memory_space<hbm>>
      %dma_wait3A_80 = tpu.memref_squeeze %dma_wait3A_79 : memref<1x312x32xf32, #tpu.memory_space<hbm>> -> memref<312x32xf32, #tpu.memory_space<hbm>>
      tpu.wait_dma2 semaphore(%arg10 : memref<!tpu.dma_semaphore, #tpu.memory_space<semaphore_mem>>) src(%dma_wait3A_80 : memref<312x32xf32, #tpu.memory_space<hbm>>) dst(%dma_wait3A_77 : memref<312x32xf32, #tpu.memory_space<vmem>>)
      %dma_wait3A_81 = arith.constant 1 : i32
      %dma_wait3A_82 = arith.constant 0 : i32
      %dma_wait3A_83 = arith.constant 0 : i32
      %dma_wait3A_84 = tpu.memref_slice %arg6[%dma_wait3A_82, %dma_wait3A_83] : memref<328x32xf32, #tpu.memory_space<vmem>> -> memref<312x32xf32, #tpu.memory_space<vmem>>
      %dma_wait3A_85 = arith.constant 0 : i32
      %dma_wait3A_86 = tpu.memref_slice %arg2[%dma_wait3A_81, %select_n3A_10, %dma_wait3A_85] : memref<2x10112x32xf32, #tpu.memory_space<hbm>> -> memref<1x312x32xf32, #tpu.memory_space<hbm>>
      %dma_wait3A_87 = tpu.memref_squeeze %dma_wait3A_86 : memref<1x312x32xf32, #tpu.memory_space<hbm>> -> memref<312x32xf32, #tpu.memory_space<hbm>>
      %dma_wait3A_88 = arith.constant 0 : i32
      %dma_wait3A_89 = arith.constant 0 : i32
      %dma_wait3A_90 = tpu.memref_slice %arg6[%dma_wait3A_88, %dma_wait3A_89] : memref<328x32xf32, #tpu.memory_space<vmem>> -> memref<312x32xf32, #tpu.memory_space<vmem>>
      %dma_wait3A_91 = arith.constant 0 : i32
      %dma_wait3A_92 = tpu.memref_slice %arg2[%dma_wait3A_81, %select_n3A_10, %dma_wait3A_91] : memref<2x10112x32xf32, #tpu.memory_space<hbm>> -> memref<1x312x32xf32, #tpu.memory_space<hbm>>
      %dma_wait3A_93 = tpu.memref_squeeze %dma_wait3A_92 : memref<1x312x32xf32, #tpu.memory_space<hbm>> -> memref<312x32xf32, #tpu.memory_space<hbm>>
      tpu.wait_dma2 semaphore(%arg10 : memref<!tpu.dma_semaphore, #tpu.memory_space<semaphore_mem>>) src(%dma_wait3A_93 : memref<312x32xf32, #tpu.memory_space<hbm>>) dst(%dma_wait3A_90 : memref<312x32xf32, #tpu.memory_space<vmem>>)
      %dma_wait3A_94 = arith.constant 0 : i32
      %dma_wait3A_95 = arith.constant 0 : i32
      %dma_wait3A_96 = arith.constant 0 : i32
      %dma_wait3A_97 = tpu.memref_slice %arg7[%dma_wait3A_95, %dma_wait3A_96] : memref<328x16xf32, #tpu.memory_space<vmem>> -> memref<312x16xf32, #tpu.memory_space<vmem>>
      %dma_wait3A_98 = arith.constant 0 : i32
      %dma_wait3A_99 = tpu.memref_slice %arg3[%dma_wait3A_94, %select_n3A_10, %dma_wait3A_98] : memref<2x10112x16xf32, #tpu.memory_space<hbm>> -> memref<1x312x16xf32, #tpu.memory_space<hbm>>
      %dma_wait3A_100 = tpu.memref_squeeze %dma_wait3A_99 : memref<1x312x16xf32, #tpu.memory_space<hbm>> -> memref<312x16xf32, #tpu.memory_space<hbm>>
      %dma_wait3A_101 = arith.constant 0 : i32
      %dma_wait3A_102 = arith.constant 0 : i32
      %dma_wait3A_103 = tpu.memref_slice %arg7[%dma_wait3A_101, %dma_wait3A_102] : memref<328x16xf32, #tpu.memory_space<vmem>> -> memref<312x16xf32, #tpu.memory_space<vmem>>
      %dma_wait3A_104 = arith.constant 0 : i32
      %dma_wait3A_105 = tpu.memref_slice %arg3[%dma_wait3A_94, %select_n3A_10, %dma_wait3A_104] : memref<2x10112x16xf32, #tpu.memory_space<hbm>> -> memref<1x312x16xf32, #tpu.memory_space<hbm>>
      %dma_wait3A_106 = tpu.memref_squeeze %dma_wait3A_105 : memref<1x312x16xf32, #tpu.memory_space<hbm>> -> memref<312x16xf32, #tpu.memory_space<hbm>>
      tpu.wait_dma2 semaphore(%arg11 : memref<!tpu.dma_semaphore, #tpu.memory_space<semaphore_mem>>) src(%dma_wait3A_106 : memref<312x16xf32, #tpu.memory_space<hbm>>) dst(%dma_wait3A_103 : memref<312x16xf32, #tpu.memory_space<vmem>>)
      %dma_wait3A_107 = arith.constant 1 : i32
      %dma_wait3A_108 = arith.constant 0 : i32
      %dma_wait3A_109 = arith.constant 0 : i32
      %dma_wait3A_110 = tpu.memref_slice %arg8[%dma_wait3A_108, %dma_wait3A_109] : memref<328x16xf32, #tpu.memory_space<vmem>> -> memref<312x16xf32, #tpu.memory_space<vmem>>
      %dma_wait3A_111 = arith.constant 0 : i32
      %dma_wait3A_112 = tpu.memref_slice %arg3[%dma_wait3A_107, %select_n3A_10, %dma_wait3A_111] : memref<2x10112x16xf32, #tpu.memory_space<hbm>> -> memref<1x312x16xf32, #tpu.memory_space<hbm>>
      %dma_wait3A_113 = tpu.memref_squeeze %dma_wait3A_112 : memref<1x312x16xf32, #tpu.memory_space<hbm>> -> memref<312x16xf32, #tpu.memory_space<hbm>>
      %dma_wait3A_114 = arith.constant 0 : i32
      %dma_wait3A_115 = arith.constant 0 : i32
      %dma_wait3A_116 = tpu.memref_slice %arg8[%dma_wait3A_114, %dma_wait3A_115] : memref<328x16xf32, #tpu.memory_space<vmem>> -> memref<312x16xf32, #tpu.memory_space<vmem>>
      %dma_wait3A_117 = arith.constant 0 : i32
      %dma_wait3A_118 = tpu.memref_slice %arg3[%dma_wait3A_107, %select_n3A_10, %dma_wait3A_117] : memref<2x10112x16xf32, #tpu.memory_space<hbm>> -> memref<1x312x16xf32, #tpu.memory_space<hbm>>
      %dma_wait3A_119 = tpu.memref_squeeze %dma_wait3A_118 : memref<1x312x16xf32, #tpu.memory_space<hbm>> -> memref<312x16xf32, #tpu.memory_space<hbm>>
      tpu.wait_dma2 semaphore(%arg11 : memref<!tpu.dma_semaphore, #tpu.memory_space<semaphore_mem>>) src(%dma_wait3A_119 : memref<312x16xf32, #tpu.memory_space<hbm>>) dst(%dma_wait3A_116 : memref<312x16xf32, #tpu.memory_space<vmem>>)
      %parallel_loop3A = arith.constant 0 : i32
      %parallel_loop3A_120 = arith.constant 312 : i32
      %parallel_loop3A_121 = arith.constant 1 : i32
      scf.for %parallel_loop3A_124 = %parallel_loop3A to %parallel_loop3A_120 step %parallel_loop3A_121  : i32 {
        %parallel_loop3A_125 = arith.index_cast %parallel_loop3A_124 : i32 to index
        %parallel_loop3A_126 = arith.constant 0 : index
        %parallel_loop3A_127 = tpu.vector_load %arg7[%parallel_loop3A_125, %parallel_loop3A_126] {strides = array<i32>} : memref<328x16xf32, #tpu.memory_space<vmem>>, vector<1x16xf32>,
        %parallel_loop3A_128 = vector.shape_cast %parallel_loop3A_127 : vector<1x16xf32> to vector<16xf32>
        %parallel_loop3A_129 = arith.index_cast %parallel_loop3A_124 : i32 to index
        %parallel_loop3A_130 = arith.constant 0 : index
        %parallel_loop3A_131 = tpu.vector_load %arg8[%parallel_loop3A_129, %parallel_loop3A_130] {strides = array<i32>} : memref<328x16xf32, #tpu.memory_space<vmem>>, vector<1x16xf32>,
        %parallel_loop3A_132 = vector.shape_cast %parallel_loop3A_131 : vector<1x16xf32> to vector<16xf32>
        %parallel_loop3A_133 = arith.addf %parallel_loop3A_128, %parallel_loop3A_132 : vector<16xf32>
        %parallel_loop3A_134 = arith.constant 1.000000e+00 : f32
        %parallel_loop3A_135 = vector.broadcast %parallel_loop3A_134 : f32 to vector<16xf32>
        %parallel_loop3A_136 = arith.maximumf %parallel_loop3A_133, %parallel_loop3A_135 : vector<16xf32>
        %parallel_loop3A_137 = arith.constant 1.000000e+00 : f32
        %parallel_loop3A_138 = vector.broadcast %parallel_loop3A_137 : f32 to vector<16xf32>
        %parallel_loop3A_139 = arith.divf %parallel_loop3A_138, %parallel_loop3A_136 : vector<16xf32>
        %parallel_loop3A_140 = arith.index_cast %parallel_loop3A_124 : i32 to index
        %parallel_loop3A_141 = arith.constant 0 : index
        %parallel_loop3A_142 = tpu.vector_load %arg5[%parallel_loop3A_140, %parallel_loop3A_141] {strides = array<i32>} : memref<328x32xf32, #tpu.memory_space<vmem>>, vector<1x16xf32>,
        %parallel_loop3A_143 = vector.shape_cast %parallel_loop3A_142 : vector<1x16xf32> to vector<16xf32>
        %parallel_loop3A_144 = arith.index_cast %parallel_loop3A_124 : i32 to index
        %parallel_loop3A_145 = arith.constant 0 : index
        %parallel_loop3A_146 = tpu.vector_load %arg6[%parallel_loop3A_144, %parallel_loop3A_145] {strides = array<i32>} : memref<328x32xf32, #tpu.memory_space<vmem>>, vector<1x16xf32>,
        %parallel_loop3A_147 = vector.shape_cast %parallel_loop3A_146 : vector<1x16xf32> to vector<16xf32>
        %parallel_loop3A_148 = arith.addf %parallel_loop3A_143, %parallel_loop3A_147 : vector<16xf32>
        %parallel_loop3A_149 = arith.mulf %parallel_loop3A_148, %parallel_loop3A_139 : vector<16xf32>
        %parallel_loop3A_150 = arith.constant 32 : i32
        %parallel_loop3A_151 = arith.muli %parallel_loop3A_124, %parallel_loop3A_150 : i32
        %parallel_loop3A_152 = arith.index_cast %parallel_loop3A_151 : i32 to index
        %parallel_loop3A_153 = tpu.vector_load %arg9[%parallel_loop3A_152] {strides = array<i32>} : memref<10496xf32, #tpu.memory_space<vmem>>, vector<16xf32>,
        %parallel_loop3A_154 = vector.shape_cast %parallel_loop3A_153 : vector<16xf32> to vector<16xf32>
        %parallel_loop3A_155 = vector.shape_cast %parallel_loop3A_149 : vector<16xf32> to vector<16xf32>
        tpu.vector_store %arg9[%parallel_loop3A_152], %parallel_loop3A_155 {strides = array<i32>} : memref<10496xf32, #tpu.memory_space<vmem>>, vector<16xf32>,
        %parallel_loop3A_156 = arith.index_cast %parallel_loop3A_124 : i32 to index
        %parallel_loop3A_157 = arith.constant 16 : index
        %parallel_loop3A_158 = tpu.vector_load %arg5[%parallel_loop3A_156, %parallel_loop3A_157] {strides = array<i32>} : memref<328x32xf32, #tpu.memory_space<vmem>>, vector<1x16xf32>,
        %parallel_loop3A_159 = vector.shape_cast %parallel_loop3A_158 : vector<1x16xf32> to vector<16xf32>
        %parallel_loop3A_160 = arith.index_cast %parallel_loop3A_124 : i32 to index
        %parallel_loop3A_161 = arith.constant 16 : index
        %parallel_loop3A_162 = tpu.vector_load %arg6[%parallel_loop3A_160, %parallel_loop3A_161] {strides = array<i32>} : memref<328x32xf32, #tpu.memory_space<vmem>>, vector<1x16xf32>,
        %parallel_loop3A_163 = vector.shape_cast %parallel_loop3A_162 : vector<1x16xf32> to vector<16xf32>
        %parallel_loop3A_164 = arith.addf %parallel_loop3A_159, %parallel_loop3A_163 : vector<16xf32>
        %parallel_loop3A_165 = arith.mulf %parallel_loop3A_164, %parallel_loop3A_139 : vector<16xf32>
        %parallel_loop3A_166 = arith.constant 32 : i32
        %parallel_loop3A_167 = arith.muli %parallel_loop3A_124, %parallel_loop3A_166 : i32
        %parallel_loop3A_168 = arith.constant 16 : i32
        %parallel_loop3A_169 = arith.addi %parallel_loop3A_167, %parallel_loop3A_168 : i32
        %parallel_loop3A_170 = arith.index_cast %parallel_loop3A_169 : i32 to index
        %parallel_loop3A_171 = tpu.vector_load %arg9[%parallel_loop3A_170] {strides = array<i32>} : memref<10496xf32, #tpu.memory_space<vmem>>, vector<16xf32>,
        %parallel_loop3A_172 = vector.shape_cast %parallel_loop3A_171 : vector<16xf32> to vector<16xf32>
        %parallel_loop3A_173 = vector.shape_cast %parallel_loop3A_165 : vector<16xf32> to vector<16xf32>
        tpu.vector_store %arg9[%parallel_loop3A_170], %parallel_loop3A_173 {strides = array<i32>} : memref<10496xf32, #tpu.memory_space<vmem>>, vector<16xf32>,
      } {sc.loop_unroll_factor = 4 : i64, sc.parallel_access}
      %mul3A_122 = arith.constant 32 : i32
      %mul3A_123 = arith.muli %select_n3A_10, %mul3A_122 : i32
      "tpu.region"() ({
        %run_scoped3A = tpu.sem_alloc : memref<!tpu.dma_semaphore, #tpu.memory_space<semaphore_mem>>
        %dma_start3A_124 = arith.constant 0 : i32
        %dma_start3A_125 = tpu.memref_slice %arg9[%dma_start3A_124] : memref<10496xf32, #tpu.memory_space<vmem>> -> memref<9984xf32, #tpu.memory_space<vmem>>
        %dma_start3A_126 = tpu.memref_slice %arg4[%mul3A_123] : memref<320000xf32, #tpu.memory_space<hbm>> -> memref<9984xf32, #tpu.memory_space<hbm>>
        %dma_start3A_127 = tpu.memref_slice %arg4[%mul3A_123] : memref<320000xf32, #tpu.memory_space<hbm>> -> memref<9984xf32, #tpu.memory_space<hbm>>
        %dma_start3A_128 = arith.constant 0 : i32
        %dma_start3A_129 = tpu.memref_slice %arg9[%dma_start3A_128] : memref<10496xf32, #tpu.memory_space<vmem>> -> memref<9984xf32, #tpu.memory_space<vmem>>
        tpu.enqueue_dma source(%dma_start3A_129 : memref<9984xf32, #tpu.memory_space<vmem>>) target(%dma_start3A_127 : memref<9984xf32, #tpu.memory_space<hbm>>) target_semaphore(%run_scoped3A : memref<!tpu.dma_semaphore, #tpu.memory_space<semaphore_mem>>)
        %dma_wait3A_130 = arith.constant 0 : i32
        %dma_wait3A_131 = tpu.memref_slice %arg9[%dma_wait3A_130] : memref<10496xf32, #tpu.memory_space<vmem>> -> memref<9984xf32, #tpu.memory_space<vmem>>
        %dma_wait3A_132 = tpu.memref_slice %arg4[%mul3A_123] : memref<320000xf32, #tpu.memory_space<hbm>> -> memref<9984xf32, #tpu.memory_space<hbm>>
        %dma_wait3A_133 = tpu.memref_slice %arg4[%mul3A_123] : memref<320000xf32, #tpu.memory_space<hbm>> -> memref<9984xf32, #tpu.memory_space<hbm>>
        %dma_wait3A_134 = arith.constant 0 : i32
        %dma_wait3A_135 = tpu.memref_slice %arg9[%dma_wait3A_134] : memref<10496xf32, #tpu.memory_space<vmem>> -> memref<9984xf32, #tpu.memory_space<vmem>>
        tpu.wait_dma2 semaphore(%run_scoped3A : memref<!tpu.dma_semaphore, #tpu.memory_space<semaphore_mem>>) src(%dma_wait3A_135 : memref<9984xf32, #tpu.memory_space<vmem>>) dst(%dma_wait3A_133 : memref<9984xf32, #tpu.memory_space<hbm>>)
        tpu.yield
      }) : () -> ()
    } else {
    }
    return
  }
}

module attributes {stable_mosaic.version = 14 : i64} {
  func.func @_attn_body(%arg0: i32, %arg1: memref<2048x32xf32, #tpu.memory_space<vmem>>, %arg2: memref<32x32xf32, #tpu.memory_space<vmem>>, %arg3: memref<32x32xf32, #tpu.memory_space<vmem>>, %arg4: memref<2048x32xf32, #tpu.memory_space<vmem>>) attributes {dimension_semantics = [#tpu.dimension_semantics<arbitrary>], iteration_bounds = array<i64: 5>, scalar_prefetch = 0 : i64, scratch_operands = 0 : i64, tpu.core_type = #tpu.core_type<tc>, window_params = [{transform_indices = @transform_0, window_bounds = array<i64: 2048, 32>}, {pipeline_mode = #tpu.pipeline_mode<synchronous>, transform_indices = @transform_1, window_bounds = array<i64: 32, 32>}, {pipeline_mode = #tpu.pipeline_mode<synchronous>, transform_indices = @transform_2, window_bounds = array<i64: 32, 32>}, {transform_indices = @transform_3, window_bounds = array<i64: 2048, 32>}]} {
    %get3A = arith.constant 0 : index
    %get3A_0 = arith.constant 0 : index
    %get3A_1 = vector.load %arg1[%get3A, %get3A_0] : memref<2048x32xf32, #tpu.memory_space<vmem>>, vector<2048x32xf32>
    %transpose3A = tpu.transpose %get3A_1, [1, 0] : vector<2048x32xf32> -> vector<32x2048xf32>
    %get3A_2 = arith.constant 0 : index
    %get3A_3 = arith.constant 0 : index
    %get3A_4 = vector.load %arg2[%get3A_2, %get3A_3] : memref<32x32xf32, #tpu.memory_space<vmem>>, vector<32x32xf32>
    %dot_general3A = arith.constant dense<0.000000e+00> : vector<32x2048xf32>
    %dot_general3A_5 = tpu.matmul %get3A_4, %transpose3A, %dot_general3A {dimension_numbers = #tpu.dot_dimension_numbers<[1], [0], [0], [1], [0, 0, 1, 1], [], []>, transpose_lhs_hint = false} : vector<32x32xf32>, vector<32x2048xf32>, vector<32x2048xf32> -> vector<32x2048xf32>
    %get3A_6 = arith.constant 0 : index
    %get3A_7 = arith.constant 0 : index
    %get3A_8 = vector.load %arg3[%get3A_6, %get3A_7] : memref<32x32xf32, #tpu.memory_space<vmem>>, vector<32x32xf32>
    %dot_general3A_9 = arith.constant dense<0.000000e+00> : vector<32x2048xf32>
    %dot_general3A_10 = tpu.matmul %get3A_8, %transpose3A, %dot_general3A_9 {dimension_numbers = #tpu.dot_dimension_numbers<[1], [0], [0], [1], [0, 0, 1, 1], [], []>, transpose_lhs_hint = false} : vector<32x32xf32>, vector<32x2048xf32>, vector<32x2048xf32> -> vector<32x2048xf32>
    %mul3A = arith.constant 0.176776692 : f32
    %mul3A_11 = vector.broadcast %mul3A : f32 to vector<32x2048xf32>
    %mul3A_12 = arith.mulf %dot_general3A_10, %mul3A_11 : vector<32x2048xf32>
    %broadcast_in_dim3A = vector.shape_cast %dot_general3A_5 : vector<32x2048xf32> to vector<32x1x2048xf32>
    %broadcast_in_dim3A_13 = vector.shape_cast %mul3A_12 : vector<32x2048xf32> to vector<1x32x2048xf32>
    %mul3A_14 = vector.broadcast %broadcast_in_dim3A : vector<32x1x2048xf32> to vector<32x32x2048xf32>
    %mul3A_15 = vector.broadcast %broadcast_in_dim3A_13 : vector<1x32x2048xf32> to vector<32x32x2048xf32>
    %mul3A_16 = arith.mulf %mul3A_14, %mul3A_15 : vector<32x32x2048xf32>
    %exp3A = math.exp %mul3A_16 : vector<32x32x2048xf32>
    %reduce_sum3A = arith.constant dense<0.000000e+00> : vector<32x2048xf32>
    %reduce_sum3A_17 = vector.multi_reduction <add>, %exp3A, %reduce_sum3A [0] : vector<32x32x2048xf32> to vector<32x2048xf32>
    %div3A = arith.divf %transpose3A, %reduce_sum3A_17 : vector<32x2048xf32>
    %broadcast_in_dim3A_18 = vector.shape_cast %div3A : vector<32x2048xf32> to vector<1x32x2048xf32>
    %mul3A_19 = vector.broadcast %broadcast_in_dim3A_18 : vector<1x32x2048xf32> to vector<32x32x2048xf32>
    %mul3A_20 = arith.mulf %exp3A, %mul3A_19 : vector<32x32x2048xf32>
    %reduce_sum3A_21 = arith.constant dense<0.000000e+00> : vector<32x2048xf32>
    %reduce_sum3A_22 = vector.multi_reduction <add>, %mul3A_20, %reduce_sum3A_21 [1] : vector<32x32x2048xf32> to vector<32x2048xf32>
    %transpose3A_23 = tpu.transpose %reduce_sum3A_22, [1, 0] : vector<32x2048xf32> -> vector<2048x32xf32>
    %swap3A = arith.constant 0 : index
    %swap3A_24 = arith.constant 0 : index
    %swap3A_25 = vector.load %arg4[%swap3A, %swap3A_24] : memref<2048x32xf32, #tpu.memory_space<vmem>>, vector<2048x32xf32>
    tpu.vector_store %arg4[%swap3A, %swap3A_24], %transpose3A_23 {strides = array<i32>} : memref<2048x32xf32, #tpu.memory_space<vmem>>, vector<2048x32xf32>,
    return
  }
  func.func @transform_0(%arg0: i32) -> (i32, i32) {
    %c0_i32 = arith.constant 0 : i32
    %c0_i32_0 = arith.constant 0 : i32
    return %arg0, %c0_i32 : i32, i32
  }
  func.func @transform_1(%arg0: i32) -> (i32, i32) {
    %c0_i32 = arith.constant 0 : i32
    %c0_i32_0 = arith.constant 0 : i32
    %c0_i32_1 = arith.constant 0 : i32
    return %c0_i32, %c0_i32_0 : i32, i32
  }
  func.func @transform_2(%arg0: i32) -> (i32, i32) {
    %c0_i32 = arith.constant 0 : i32
    %c0_i32_0 = arith.constant 0 : i32
    %c0_i32_1 = arith.constant 0 : i32
    return %c0_i32, %c0_i32_0 : i32, i32
  }
  func.func @transform_3(%arg0: i32) -> (i32, i32) {
    %c0_i32 = arith.constant 0 : i32
    %c0_i32_0 = arith.constant 0 : i32
    return %arg0, %c0_i32 : i32, i32
  }
}

</mosaic_0001>

<sc_bundles>
// kernel: kernel.5.cloned.1.call-start
scs
__scs_entry_jumppad:
0x0: {  	(pc) =	sbr.rel $0x88, $3  }
0x1: {  	(tag) =	ssettag $0x0;
	lr =	simm.s32 $0x1  }
0x2: {  	[smem:$0x3F9D] =	sst lr;
	_ =	strace $0xD0000000  }
0x3: {  	_ = 	snop  }
0x4: {  	_ = 	snop  }
0x5: {  	_ = 	snop  }
0x6: {  	_ = 	snop  }
0x7: {  	_ = 	snop  }
__scs_overlays_trampoline_lowered:
0x8: {  	[smem:$0x3FAC] =	sst s0  }
0x9: {  	[smem:$0x3FAD] =	sst s1  }
0xa: {  	[smem:$0x3FAE] =	sst s2  }
0xb: {  	[smem:$0x3FAF] =	sst s3  }
0xc: {  	[smem:$0x3FB0] =	sst s4  }
0xd: {  	[smem:$0x3FB1] =	sst s5  }
0xe: {  	[smem:$0x3FB2] =	sst s6  }
0xf: {  	[smem:$0x3FB3] =	sst s7  }
0x10: {  	[smem:$0x3FB4] =	sst s8  }
0x11: {  	[smem:$0x3FB5] =	sst s9;
	s0 =	simm.s32 @!p0 $0x0  }
0x12: {  	s1 =	sld [smem:$0x3F9B];
	s0 =	simm.s32 @p0 $0x1  }
0x13: {  	[smem:$0x3FB6] =	sst s0;
	s0 =	simm.s32 @!p1 $0x0  }
0x14: {  	s2 =	sld [smem:$0x3F9A];
	s0 =	simm.s32 @p1 $0x1  }
0x15: {  	[smem:$0x3FB7] =	sst s0;
	s0 =	simm.s32 @!p2 $0x0  }
0x16: {  	s3 =	sld [smem:$0x3FDB];
	s0 =	simm.s32 @p2 $0x1  }
0x17: {  	s4 =	simm.s32 $0x1BF5;
	[smem:$0x3FB9] =	sst s0  }
0x18: {  	s0 =	sld [smem:$0x3F9C];
	_ =	swait.ge [sflag:s4], $0x0  }
0x19: {  	s7 =	sld [smem:$0x3F9D]  }
0x1a: {  	s8 =	sadd.s32 $0xFFFFE003, lr  }
0x1b: {  	s9 =	sadd.s32 $0xFFFFFEF7, lr;
	s5 =	simm.s32 $0xFFFFFFFF;
	p2 =	slt.u32 s8, $0xFFFFF086  }
0x1c: {  	p1 =	slt.u32 s9, $0xF7A;
	s5 =	simm.s32 @!p2 $0x0  }
0x1d: {  	s5 =	simm.s32 @p1 $0x1;
	p0 =	seq.s32 s7, s2  }
0x1e: {  	s7 =	smul.u32 @!p0 $0xF7A, s2;
	p2 =	seq.s32 @!p0 s5, $0x0  }
0x1f: {  	s9 =	smul.u32 $0xF7A, s1;
	s8 =	simm.s32 @!p0 $0x1BF5;
	p2 =	por !p2, p0  }
0x20: {  	[sflag:s8] =	ssyncset.s32 @!p0 $0xFFFFF086;
	s6 =	sadd.s32 @!p0 s3, s7;
	s7 =	simm.s32 @!p0 $0x108  }
0x21: {  	s3 =	sadd.s32 s3, s9;
	s6 =	sadd.s32 @!p0 $0x88, s6;
	s7 =	simm.s32 @p2 $0x1082  }
0x22: {  	[simem:s7], [sflag:s8] =	dma.local @!p0 [hbm:s6], $0xF7A  }
0x23: {  	s9 =	sor.u32 $0xD0000000, s2;
	s6 =	simm.s32 $0x108;
	_ =	swait.ge @!p0 [sflag:s8], $0x0  }
0x24: {  	s3 =	sadd.s32 $0x88, s3;
	s6 =	simm.s32 @!p1 $0x1082;
	[sflag:s4] =	ssyncset.s32 $0xFFFFF086  }
0x25: {  	[simem:s6], [sflag:s4] =	dma.local [hbm:s3], $0xF7A  }
0x26: {  	[smem:$0x3F9D] =	sst s1;
	(tag) =	ssettag s2;
	_ =	strace s9  }
0x27: {  	s1 =	sld [smem:$0x3FAD]  }
0x28: {  	s2 =	sld [smem:$0x3FAE]  }
0x29: {  	s4 =	sld [smem:$0x3FB0]  }
0x2a: {  	p0 =	seq.s32 s5, $0x0;
	s5 =	sld [smem:$0x3FB1]  }
0x2b: {  	s6 =	sld [smem:$0x3FB2]  }
0x2c: {  	s7 =	sld [smem:$0x3FB3]  }
0x2d: {  	s3 =	simm.s32 $0x108;
	s8 =	sld [smem:$0x3FB4]  }
0x2e: {  	s3 =	simm.s32 @!p0 $0x1082;
	s9 =	sld [smem:$0x3FB5]  }
0x2f: {  	lr =	sadd.s32 s0, s3;
	s0 =	sld [smem:$0x3FAC]  }
0x30: {  	s3 =	sld [smem:$0x3FAF]  }
0x31: {  	[smem:$0x3FB8] =	sst s10  }
0x32: {  	s10 =	sld [smem:$0x3FB6];
	_ =	sdelay $0x3  }
0x33: {  	p0 =	seq.s32 s10, $0x1;
	s10 =	sld [smem:$0x3FB8];
	_ =	sdelay $0x3  }
0x34: {  	[smem:$0x3FB8] =	sst s10  }
0x35: {  	s10 =	sld [smem:$0x3FB7];
	_ =	sdelay $0x3  }
0x36: {  	p1 =	seq.s32 s10, $0x1;
	s10 =	sld [smem:$0x3FB8];
	_ =	sdelay $0x3  }
0x37: {  	[smem:$0x3FB8] =	sst s10  }
0x38: {  	s10 =	sld [smem:$0x3FB9]  }
0x39: {  	_ = 	snop;
	(pc) =	sbr.ind lr, $3  }
0x3a: {  	_ = 	snop  }
0x3b: {  	_ = 	snop  }
0x3c: {  	p2 =	seq.s32 s10, $0x1;
	s10 =	sld [smem:$0x3FB8]  }
0x3d: {  	_ =	shalt  }
0x3e: {  	_ =	shalt  }
0x3f: {  	_ =	shalt  }
0x40: {  	_ =	shalt  }
0x41: {  	_ =	shalt  }
0x42: {  	_ =	shalt  }
0x43: {  	_ =	shalt  }
0x44: {  	_ =	shalt  }
0x45: {  	_ =	shalt  }
0x46: {  	_ =	shalt  }
0x47: {  	_ =	shalt  }
0x48: {  	_ =	shalt  }
0x49: {  	_ =	shalt  }
0x4a: {  	_ =	shalt  }
0x4b: {  	_ =	shalt  }
0x4c: {  	_ =	shalt  }
0x4d: {  	_ =	shalt  }
0x4e: {  	_ =	shalt  }
0x4f: {  	_ =	shalt  }
0x50: {  	_ =	shalt  }
0x51: {  	_ =	shalt  }
0x52: {  	_ =	shalt  }
0x53: {  	_ =	shalt  }
0x54: {  	_ =	shalt  }
0x55: {  	_ =	shalt  }
0x56: {  	_ =	shalt  }
0x57: {  	_ =	shalt  }
0x58: {  	_ =	shalt  }
0x59: {  	_ =	shalt  }
0x5a: {  	_ =	shalt  }
0x5b: {  	_ =	shalt  }
0x5c: {  	_ =	shalt  }
0x5d: {  	_ =	shalt  }
0x5e: {  	_ =	shalt  }
0x5f: {  	_ =	shalt  }
0x60: {  	_ =	shalt  }
0x61: {  	_ =	shalt  }
0x62: {  	_ =	shalt  }
0x63: {  	_ =	shalt  }
0x64: {  	_ =	shalt  }
0x65: {  	_ =	shalt  }
0x66: {  	_ =	shalt  }
0x67: {  	_ =	shalt  }
0x68: {  	_ =	shalt  }
0x69: {  	_ =	shalt  }
0x6a: {  	_ =	shalt  }
0x6b: {  	_ =	shalt  }
0x6c: {  	_ =	shalt  }
0x6d: {  	_ =	shalt  }
0x6e: {  	_ =	shalt  }
0x6f: {  	_ =	shalt  }
0x70: {  	_ =	shalt  }
0x71: {  	_ =	shalt  }
0x72: {  	_ =	shalt  }
0x73: {  	_ =	shalt  }
0x74: {  	_ =	shalt  }
0x75: {  	_ =	shalt  }
0x76: {  	_ =	shalt  }
0x77: {  	_ =	shalt  }
0x78: {  	_ =	shalt  }
0x79: {  	_ =	shalt  }
0x7a: {  	_ =	shalt  }
0x7b: {  	_ =	shalt  }
0x7c: {  	_ =	shalt  }
0x7d: {  	_ =	shalt  }
0x7e: {  	_ =	shalt  }
0x7f: {  	_ =	shalt  }
0x80: {  	_ =	shalt  }
0x81: {  	_ =	shalt  }
0x82: {  	_ =	shalt  }
0x83: {  	_ =	shalt  }
0x84: {  	_ =	shalt  }
0x85: {  	_ =	shalt  }
0x86: {  	_ =	shalt  }
0x87: {  	_ =	shalt  }
.Lfunc_end0:
.L_simem_size_0:
called_computation_lowered:
.L_overlay_start_0:
0x88: {  	s2 =	sld [smem:$0x3FD9]  }
0x89: {  	s3 =	sld [smem:$0x3FFE];
	_ =	sdelay $0x1  }
0x8a: {  	s1 =	srdreg.scid  }
0x8b: {  	s0 =	sand.u32 $0x1, s1  }
0x8c: {  	s17 =	sshll.u32 s0, $0xA;
	s2 =	sadd.s32 s3, s2  }
0x8d: {  	s2 =	sadd.s32 s2, s17  }
0x8e: {  	[smem:$0x3FC4] =	sst s2  }
0x8f: {  	_ = 	snop  }
0x90: {  	s2 =	sld [smem:$0x3FD0];
	(tm) =	ssettm $0x1  }
0x91: {  	s18 =	sld [smem:$0x3FFB];
	_ =	sdelay $0x3  }
0x92: {  	_ =	strace s18  }
0x93: {  	s3 =	sld [smem:$0x3FFC];
	_ =	sdelay $0x3  }
0x94: {  	_ =	strace s3  }
0x95: {  	s3 =	sld [smem:$0x3FFD];
	_ =	sdelay $0x3  }
0x96: {  	_ =	strace s3  }
0x97: {  	_ =	strace $0x8FFFFFFF  }
0x98: {  	s19 =	sld [smem:$0x3FDB];
	_ =	sdelay $0x1  }
0x99: {  	s4 =	simm.s32 $_scs_section_size  }
0x9a: {  	s5 =	simm.s32 $_size__tile_overlayer_lowered;
	s6 =	simm.s32 $_tile_overlayer_lowered  }
0x9b: {  	s22 =	simm.s32 $0x1BFF;
	s21 =	sshll.u32 s6, $0x1;
	s3 =	sadd.s32 s4, s19  }
0x9c: {  	s7 =	simm.s32 $0x0;
	s20 =	sshll.u32 s5, $0x1;
	s5 =	sadd.s32 s21, s3  }
0x9d: {  	[timem:s7], [sflag:s22] =	dma.local [hbm:s5], s20  }
0x9e: {  	_ =	swait.ge [sflag:s22], s20  }
0x9f: {  	s4 =	ssub.s32 $0x0, s20;
	[sflag:s22] =	ssyncset.done $0x0  }
0xa0: {  	[sflag:s22] =	ssyncadd.s32 s4;
	_ =	sdelay $0x1  }
0xa1: {  	s23 =	simm.s32 $0x1B8B  }
0xa2: {  	_ =	swait.ge [sflag:s23], $0x1  }
0xa3: {  	[sflag:s23] =	ssyncset.done $0x0  }
0xa4: {  	s25 =	simm.s32 $0x1B8E;
	s24 =	sld [smem:$0x3FFE];
	[sflag:s23] =	ssyncadd.s32 $0xFFFFFFFF  }
0xa5: {  	s26 =	simm.s32 $execute0_lowered;
	[smem:$0x3FD2] =	sst s25  }
0xa6: {  	s5 =	sshll.u32 s26, $0x1;
	_ =	strace $0x80000046;
	[dreg:$0x1] =	wrdreg $0xFFFFFFFF  }
0xa7: {  	s28 =	simm.s32 $_size_execute0_lowered;
	s3 =	sadd.s32 s3, s5;
	[dreg:$0x0] =	wrdreg $0x0  }
0xa8: {  	s5 =	sshll.u32 s28, $0x1;
	[dreg:$0x2] =	wrdreg s3  }
0xa9: {  	[dreg:$0x3] =	wrdreg s5  }
0xaa: {  	[dreg:$0x4] =	wrdreg $0xC0  }
0xab: {  	_ =	task [dreg:s7], $0x5FFFF  }
0xac: {  	[dreg:$0x1] =	wrdreg $0xFFFFFFFF  }
0xad: {  	[dreg:$0x0] =	wrdreg $0x60  }
0xae: {  	[dreg:$0x2] =	wrdreg s24  }
0xaf: {  	[dreg:$0x3] =	wrdreg s2  }
0xb0: {  	[dreg:$0x4] =	wrdreg $0x5E000  }
0xb1: {  	[dreg:$0x5] =	wrdreg $0xAD000  }
0xb2: {  	[dreg:$0x6] =	wrdreg $0x9  }
0xb3: {  	_ =	task.clear_ibuf [dreg:s7], $0x7FFFF;
	_ =	strace $0x90000046  }
0xb4: {  	s29 =	simm.s32 $0x9;
	_ =	strace $0x80000048  }
0xb5: {  	_ =	swait.ge [sflag:s29], $0x1  }
0xb6: {  	[sflag:s29] =	ssyncadd.s32 $0xFFFFFFFF  }
0xb7: {  	_ =	strace $0x90000048  }
0xb8: {  	_ =	sfence  }
0xb9: {  	s30 =	sld [smem:$0x0];
	_ =	sdelay $0x2  }
0xba: {  	s31 =	sshll.u32 s1, $0xD;
	s1 =	sshrl.u32 s1, $0x2  }
0xbb: {  	s3 =	sand.u32 $0x4000, s31;
	s1 =	sadd.s32 s1, s30  }
0xbc: {  	s0 =	sor.u32 s3, s0;
	s1 =	sshll.u32 s1, $0x11  }
0xbd: {  	s0 =	sor.u32 s1, s0  }
0xbe: {  	s0 =	sadd.s32 $0x8F2B, s0  }
0xbf: {  	[sflag:s0] =	ssyncadd.remote.s32 $0x1  }
0xc0: {  	_ =	sfence.sel $0xFFFF  }
0xc1: {  	[dreg:$0x0] =	wrdreg $0xFFFFFFFF;
	(pc) =	sbr.abs _section_cstart, $3  }
0xc2: {  	[dreg:$0x1] =	wrdreg $0xFFFFFFFF  }
0xc3: {  	_ =	task.clear_ibuf [dreg:s7], $0x2FFFF;
	_ =	strace $0x9FFFFFFF  }
0xc4: {  	(tm) =	ssettm $0x7FFFFFFF  }
0xc5: {  	_ =	shalt  }
tec
execute0_lowered:
.L_overlay_start_1:
0x0: {  	(tag) =	ssettag $0x1  }
0x1: {  	s0 =	rddreg [dreg:$0x0]  }
0x2: {  	s1 =	srdreg.scid;
	s6 =	rddreg [dreg:$0x1]  }
0x3: {  	s2 =	rddreg [dreg:$0x2];
	s14 =	stileid.u32  }
0x4: {  	s3 =	rddreg [dreg:$0x3];
	s28 =	simm.s32 $0x1600;
	s29 =	simm.s32 $0x2600  }
0x5: {  	s31 =	simm.s32 $0x3600;
	s30 =	simm.s32 $0x4;
	s8 =	smul.u32 $0x2780, s14  }
0x6: {  	s15 =	simm.s32 $0x1500;
	s1 =	sand.u32 $0x1, s1;
	s9 =	smul.u32 $0x4F00, s14  }
0x7: {  	s13 =	sadd.s32 $0x15A00, s0;
	s19 =	sshll.u32 s14, $0x6;
	s10 =	smul.u32 $0x4F000, s1  }
0x8: {  	s4 =	sshll.u32 s1, $0x4;
	s12 =	smul.u32 $0x27800, s1;
	s1 =	ssub.s32 $0x2, s1  }
0x9: {  	s20 =	sor.u32 $0x1C05, s19;
	s26 =	sor.u32 $0x1C09, s19;
	s5 =	sor.u32 s14, s4  }
0xa: {  	s4 =	simm.s32 $0x0;
	s11 =	sshrl.u32 s8, $0x3;
	s17 =	sshrl.u32 s1, $0x1  }
0xb: {  	s18 =	sshrl.u32 s9, $0x3;
	s21 =	sadd.s32 s8, s3;
	s7 =	smul.u32 $0xB00, s5  }
0xc: {  	[smem:$0x7FF] =	sst s4;
	s5 =	sadd.s32 $0x1200, s0;
	s11 =	sadd.s32 s11, s0  }
0xd: {  	s10 =	sadd.s32 s9, s10;
	s12 =	sadd.s32 s8, s12;
	s1 =	ssub.s32 s1, s17  }
0xe: {  	s9 =	sadd.s32 s9, s2;
	s6 =	sadd.s32 s6, s18;
	s18 =	sshrl.u32 s21, $0x3  }
0xf: {  	s21 =	simm.s32 $0x5;
	_ =	strace $0x80000047;
	[dreg:$0x5] =	wrdreg s13  }
0x10: {  	s17 =	simm.s32 $0x1580;
	s8 =	simm.s32 $0xD;
	[dreg:$0x6] =	wrdreg s6  }
0x11: {  	s10 =	sshrl.u32 s10, $0x3;
	s12 =	sshrl.u32 s12, $0x3;
	[dreg:$0x8] =	wrdreg s20  }
0x12: {  	s22 =	sadd.s32 $0x10A00, s11;
	s25 =	smax.u32 s1, $0x1;
	[dreg:$0x7] =	wrdreg s19  }
0x13: {  	s16 =	sshrl.u32 s9, $0x3;
	[dreg:$0xf] =	wrdreg s26;
	s19 =	simm.s32 $0x5600  }
0x14: {  	s26 =	simm.s32 $0x80;
	s20 =	simm.s32 $0x3;
	s1 =	simm.s32 $0x6  }
0x15: {  	s6 =	simm.s32 $0x7;
	s9 =	simm.s32 $0x8;
	s11 =	simm.s32 $0x0  }
0x16: {  	s7 =	sshrl.u32 s7, $0x3;
	s10 =	sadd.s32 s10, s0;
	[dreg:$0x9] =	wrdreg s22  }
0x17: {  	[dreg:$0xe] =	wrdreg s25;
	s7 =	sadd.s32 s7, s0;
	s24 =	sadd.s32 $0x15C00, s10  }
0x18: {  	s22 =	simm.s32 $0x9;
	s23 =	sadd.s32 $0xB200, s7;
	[dreg:$0xc] =	wrdreg s24  }
0x19: {  	s0 =	sadd.s32 s12, s0;
	s7 =	sadd.s32 $0xDE00, s7;
	[dreg:$0xa] =	wrdreg s23  }
0x1a: {  	s25 =	simm.s32 $0x2;
	s0 =	sadd.s32 $0x29800, s0;
	[dreg:$0xb] =	wrdreg s7  }
0x1b: {  	s10 =	simm.s32 $0xC;
	s24 =	simm.s32 $0x1;
	[dreg:$0xd] =	wrdreg s0  }
0x1c: {  	s23 =	simm.s32 $0xA;
	s0 =	simm.s32 $0x4600;
	s7 =	simm.s32 $0xB  }
.LBB2_1:
0x1d: {  	s12 =	rddreg [dreg:$0x6]  }
0x1e: {  	s13 =	rddreg [dreg:$0x8]  }
0x1f: {  	[spmem:s16], [sflag:s13] =	dma.local [hbm:s12], $0x9E0  }
0x20: {  	s12 =	rddreg [dreg:$0x9]  }
0x21: {  	s13 =	rddreg [dreg:$0xf]  }
0x22: {  	[spmem:s18], [sflag:s13] =	dma.local [hbm:s12], $0x4F0  }
0x23: {  	s12 =	rddreg [dreg:$0x5]  }
0x24: {  	[tilespmem:s19], [sflag:$0xA] =	stream.linear.gather [hbm4b:s12+s4], $0x800, $0x38;
	[tilespmem:$0xD480] =	vst v63  }
0x25: {  	s14 =	rddreg [dreg:$0xa]  }
0x26: {  	[tilespmem:s4], [sflag:$0x1] =	stream.linear.gather [hbm4b:s14+s4], $0xB00, $0x38;
	[tilespmem:$0xD480] =	vst v63  }
0x27: {  	s13 =	rddreg [dreg:$0xb];
	s14 =	simm.s32 $0xB00  }
0x28: {  	[tilespmem:s14], [sflag:$0x2] =	stream.linear.gather [hbm4b:s13+s4], $0xB00, $0x38;
	[tilespmem:$0xD480] =	vst v63  }
0x29: {  	_ =	swait.ge [sflag:s21], $0x9E0  }
0x2a: {  	[sflag:s21] =	ssyncset.done $0x0  }
0x2b: {  	[sflag:s21] =	ssyncadd.s32 $0xFFFFF620  }
0x2c: {  	_ =	swait.ge [sflag:s22], $0x4F0  }
0x2d: {  	[sflag:s22] =	ssyncset.done $0x0  }
0x2e: {  	[sflag:s22] =	ssyncadd.s32 $0xFFFFFB10  }
0x2f: {  	_ =	swait.ge [sflag:s23], $0x800  }
0x30: {  	[sflag:s23] =	ssyncset.done $0x0  }
0x31: {  	[sflag:s23] =	ssyncadd.s32 $0xFFFFF800  }
0x32: {  	_ =	swait.ge [sflag:s24], $0xB00  }
0x33: {  	[sflag:s24] =	ssyncset.done $0x0  }
0x34: {  	[sflag:s24] =	ssyncadd.s32 $0xFFFFF500  }
0x35: {  	_ =	swait.ge [sflag:s25], $0xB00  }
0x36: {  	[sflag:s25] =	ssyncset.done $0x0  }
0x37: {  	[sflag:s25] =	ssyncadd.s32 $0xFFFFF500  }
0x38: {  	[bflag:$0x0] =	sbarrier.arrive $0xFFFF  }
0x39: {  	[tilespmem:s28], [sflag:$0x1] =	stream.indirect.gather [hbm4b:s5+s26], $0x20, s4, s26, $0xb8;
	[tilespmem:$0xD480] =	vst v63  }
0x3a: {  	_ = 	snop  }
0x3b: {  	[tilespmem:s29], [sflag:$0x2] =	stream.indirect.gather [hbm4b:s5+s26], $0x20, s26, s26, $0xb8;
	[tilespmem:$0xD480] =	vst v63  }
0x3c: {  	s14 =	simm.s32 $0x100  }
0x3d: {  	[tilespmem:s31], [sflag:$0x3] =	stream.indirect.gather [hbm4b:s5+s26], $0x20, s14, s26, $0xb8;
	[tilespmem:$0xD480] =	vst v63  }
0x3e: {  	s13 =	simm.s32 $0x180  }
0x3f: {  	[tilespmem:s0], [sflag:$0x4] =	stream.indirect.gather [hbm4b:s5+s26], $0x20, s13, s26, $0xb8;
	[tilespmem:$0xD480] =	vst v63  }
0x40: {  	_ =	swait.ge [sflag:s24], $0x1000  }
0x41: {  	[sflag:s24] =	ssyncset.done $0x0  }
0x42: {  	s14 =	simm.s32 $0xB00;
	[sflag:s24] =	ssyncadd.s32 $0xFFFFF000  }
0x43: {  	[spmem:s2] =	stream.indirect.scatter.add.f32 [tilespmem:s28], [sflag:$0x5], $0x20, s14, s26, $0xb8;
	[tilespmem:$0xD480] =	vst v63  }
0x44: {  	_ = 	snop  }
0x45: {  	[spmem:s3] =	stream.indirect.scatter.add.f32 [tilespmem:s19], [sflag:$0x9], $0x10, s14, s26, $0xb8;
	[tilespmem:$0xD480] =	vst v63  }
0x46: {  	_ =	swait.ge [sflag:s25], $0x1000  }
0x47: {  	[sflag:s25] =	ssyncset.done $0x0  }
0x48: {  	s13 =	simm.s32 $0xB80;
	[sflag:s25] =	ssyncadd.s32 $0xFFFFF000  }
0x49: {  	[spmem:s2] =	stream.indirect.scatter.add.f32 [tilespmem:s29], [sflag:$0x6], $0x20, s13, s26, $0xb8;
	[tilespmem:$0xD480] =	vst v63  }
0x4a: {  	_ = 	snop  }
0x4b: {  	[spmem:s3] =	stream.indirect.scatter.add.f32 [tilespmem:s19], [sflag:$0xA], $0x10, s13, s26, $0xb8;
	[tilespmem:$0xD480] =	vst v63  }
0x4c: {  	_ =	swait.ge [sflag:s20], $0x1000  }
0x4d: {  	[sflag:s20] =	ssyncset.done $0x0  }
0x4e: {  	s14 =	simm.s32 $0xC00;
	[sflag:s20] =	ssyncadd.s32 $0xFFFFF000  }
0x4f: {  	[spmem:s2] =	stream.indirect.scatter.add.f32 [tilespmem:s31], [sflag:$0x7], $0x20, s14, s26, $0xb8;
	[tilespmem:$0xD480] =	vst v63  }
0x50: {  	_ = 	snop  }
0x51: {  	[spmem:s3] =	stream.indirect.scatter.add.f32 [tilespmem:s19], [sflag:$0xB], $0x10, s14, s26, $0xb8;
	[tilespmem:$0xD480] =	vst v63  }
0x52: {  	_ =	swait.ge [sflag:s30], $0x1000  }
0x53: {  	[sflag:s30] =	ssyncset.done $0x0  }
0x54: {  	s13 =	simm.s32 $0xC80;
	[sflag:s30] =	ssyncadd.s32 $0xFFFFF000  }
0x55: {  	[spmem:s2] =	stream.indirect.scatter.add.f32 [tilespmem:s0], [sflag:$0x8], $0x20, s13, s26, $0xb8;
	[tilespmem:$0xD480] =	vst v63  }
0x56: {  	_ = 	snop  }
0x57: {  	[spmem:s3] =	stream.indirect.scatter.add.f32 [tilespmem:s19], [sflag:$0xC], $0x10, s13, s26, $0xb8;
	[tilespmem:$0xD480] =	vst v63  }
0x58: {  	_ =	swait.ge [sflag:s21], $0x1000  }
0x59: {  	[sflag:s21] =	ssyncset.done $0x0  }
0x5a: {  	[sflag:s21] =	ssyncadd.s32 $0xFFFFF000  }
0x5b: {  	_ =	swait.ge [sflag:s22], $0x800  }
0x5c: {  	[sflag:s22] =	ssyncset.done $0x0  }
0x5d: {  	s14 =	simm.s32 $0x200;
	[sflag:s22] =	ssyncadd.s32 $0xFFFFF800  }
0x5e: {  	[tilespmem:s28], [sflag:$0x1] =	stream.indirect.gather [hbm4b:s5+s26], $0x20, s14, s26, $0xb8;
	[tilespmem:$0xD480] =	vst v63  }
0x5f: {  	_ =	swait.ge [sflag:s1], $0x1000  }
0x60: {  	[sflag:s1] =	ssyncset.done $0x0  }
0x61: {  	[sflag:s1] =	ssyncadd.s32 $0xFFFFF000  }
0x62: {  	_ =	swait.ge [sflag:s23], $0x800  }
0x63: {  	[sflag:s23] =	ssyncset.done $0x0  }
0x64: {  	s13 =	simm.s32 $0x280;
	[sflag:s23] =	ssyncadd.s32 $0xFFFFF800  }
0x65: {  	[tilespmem:s29], [sflag:$0x2] =	stream.indirect.gather [hbm4b:s5+s26], $0x20, s13, s26, $0xb8;
	[tilespmem:$0xD480] =	vst v63  }
0x66: {  	_ =	swait.ge [sflag:s6], $0x1000  }
0x67: {  	[sflag:s6] =	ssyncset.done $0x0  }
0x68: {  	[sflag:s6] =	ssyncadd.s32 $0xFFFFF000  }
0x69: {  	_ =	swait.ge [sflag:s7], $0x800  }
0x6a: {  	[sflag:s7] =	ssyncset.done $0x0  }
0x6b: {  	s14 =	simm.s32 $0x300;
	[sflag:s7] =	ssyncadd.s32 $0xFFFFF800  }
0x6c: {  	[tilespmem:s31], [sflag:$0x3] =	stream.indirect.gather [hbm4b:s5+s26], $0x20, s14, s26, $0xb8;
	[tilespmem:$0xD480] =	vst v63  }
0x6d: {  	_ =	swait.ge [sflag:s9], $0x1000  }
0x6e: {  	[sflag:s9] =	ssyncset.done $0x0  }
0x6f: {  	[sflag:s9] =	ssyncadd.s32 $0xFFFFF000  }
0x70: {  	_ =	swait.ge [sflag:s10], $0x800  }
0x71: {  	[sflag:s10] =	ssyncset.done $0x0  }
0x72: {  	s12 =	simm.s32 $0x800;
	s13 =	simm.s32 $0x380;
	[sflag:s10] =	ssyncadd.s32 $0xFFFFF800  }
.LBB2_2:
0x73: {  	[tilespmem:s0], [sflag:$0x4] =	stream.indirect.gather [hbm4b:s5+s26], $0x20, s13, s26, $0xb8;
	[tilespmem:$0xD480] =	vst v63  }
0x74: {  	s13 =	smov.u32 s12  }
0x75: {  	p0 =	sne.s32 s12, $0x1800;
	s12 =	sadd.s32 $0x800, s12;
	_ =	swait.ge [sflag:s24], $0x1000  }
0x76: {  	s13 =	sshra.s32 s13, $0x2;
	[sflag:s24] =	ssyncset.done $0x0  }
0x77: {  	s14 =	sadd.s32 $0xB00, s13;
	[sflag:s24] =	ssyncadd.s32 $0xFFFFF000  }
0x78: {  	[spmem:s2] =	stream.indirect.scatter.add.f32 [tilespmem:s28], [sflag:$0x5], $0x20, s14, s26, $0xb8;
	[tilespmem:$0xD480] =	vst v63  }
0x79: {  	_ = 	snop  }
0x7a: {  	[spmem:s3] =	stream.indirect.scatter.add.f32 [tilespmem:s19], [sflag:$0x9], $0x10, s14, s26, $0xb8;
	[tilespmem:$0xD480] =	vst v63  }
0x7b: {  	_ =	swait.ge [sflag:s25], $0x1000  }
0x7c: {  	[sflag:s25] =	ssyncset.done $0x0  }
0x7d: {  	s14 =	sadd.s32 $0xB80, s13;
	[sflag:s25] =	ssyncadd.s32 $0xFFFFF000  }
0x7e: {  	[spmem:s2] =	stream.indirect.scatter.add.f32 [tilespmem:s29], [sflag:$0x6], $0x20, s14, s26, $0xb8;
	[tilespmem:$0xD480] =	vst v63  }
0x7f: {  	_ = 	snop  }
0x80: {  	[spmem:s3] =	stream.indirect.scatter.add.f32 [tilespmem:s19], [sflag:$0xA], $0x10, s14, s26, $0xb8;
	[tilespmem:$0xD480] =	vst v63  }
0x81: {  	_ =	swait.ge [sflag:s20], $0x1000  }
0x82: {  	[sflag:s20] =	ssyncset.done $0x0  }
0x83: {  	s14 =	sadd.s32 $0xC00, s13;
	[sflag:s20] =	ssyncadd.s32 $0xFFFFF000  }
0x84: {  	[spmem:s2] =	stream.indirect.scatter.add.f32 [tilespmem:s31], [sflag:$0x7], $0x20, s14, s26, $0xb8;
	[tilespmem:$0xD480] =	vst v63  }
0x85: {  	_ = 	snop  }
0x86: {  	[spmem:s3] =	stream.indirect.scatter.add.f32 [tilespmem:s19], [sflag:$0xB], $0x10, s14, s26, $0xb8;
	[tilespmem:$0xD480] =	vst v63  }
0x87: {  	_ =	swait.ge [sflag:s30], $0x1000  }
0x88: {  	[sflag:s30] =	ssyncset.done $0x0  }
0x89: {  	s14 =	sadd.s32 $0xC80, s13;
	[sflag:s30] =	ssyncadd.s32 $0xFFFFF000  }
0x8a: {  	[spmem:s2] =	stream.indirect.scatter.add.f32 [tilespmem:s0], [sflag:$0x8], $0x20, s14, s26, $0xb8;
	[tilespmem:$0xD480] =	vst v63  }
0x8b: {  	_ = 	snop  }
0x8c: {  	[spmem:s3] =	stream.indirect.scatter.add.f32 [tilespmem:s19], [sflag:$0xC], $0x10, s14, s26, $0xb8;
	[tilespmem:$0xD480] =	vst v63  }
0x8d: {  	_ =	swait.ge [sflag:s21], $0x1000  }
0x8e: {  	[sflag:s21] =	ssyncset.done $0x0  }
0x8f: {  	[sflag:s21] =	ssyncadd.s32 $0xFFFFF000  }
0x90: {  	_ =	swait.ge [sflag:s22], $0x800  }
0x91: {  	[sflag:s22] =	ssyncset.done $0x0  }
0x92: {  	s14 =	sadd.s32 $0x200, s13;
	[sflag:s22] =	ssyncadd.s32 $0xFFFFF800  }
0x93: {  	[tilespmem:s28], [sflag:$0x1] =	stream.indirect.gather [hbm4b:s5+s26], $0x20, s14, s26, $0xb8;
	[tilespmem:$0xD480] =	vst v63  }
0x94: {  	_ =	swait.ge [sflag:s1], $0x1000  }
0x95: {  	[sflag:s1] =	ssyncset.done $0x0  }
0x96: {  	[sflag:s1] =	ssyncadd.s32 $0xFFFFF000  }
0x97: {  	_ =	swait.ge [sflag:s23], $0x800  }
0x98: {  	[sflag:s23] =	ssyncset.done $0x0  }
0x99: {  	s14 =	sadd.s32 $0x280, s13;
	[sflag:s23] =	ssyncadd.s32 $0xFFFFF800  }
0x9a: {  	[tilespmem:s29], [sflag:$0x2] =	stream.indirect.gather [hbm4b:s5+s26], $0x20, s14, s26, $0xb8;
	[tilespmem:$0xD480] =	vst v63  }
0x9b: {  	_ =	swait.ge [sflag:s6], $0x1000  }
0x9c: {  	[sflag:s6] =	ssyncset.done $0x0  }
0x9d: {  	[sflag:s6] =	ssyncadd.s32 $0xFFFFF000  }
0x9e: {  	_ =	swait.ge [sflag:s7], $0x800  }
0x9f: {  	[sflag:s7] =	ssyncset.done $0x0  }
0xa0: {  	s14 =	sadd.s32 $0x300, s13;
	[sflag:s7] =	ssyncadd.s32 $0xFFFFF800  }
0xa1: {  	[tilespmem:s31], [sflag:$0x3] =	stream.indirect.gather [hbm4b:s5+s26], $0x20, s14, s26, $0xb8;
	[tilespmem:$0xD480] =	vst v63  }
0xa2: {  	_ =	swait.ge [sflag:s9], $0x1000  }
.Ltmp0:
0xa3: {  	[sflag:s9] =	ssyncset.done $0x0;
	(pc) =	sbr.rel @p0 .LBB2_2-.Ltmp0, $4  }
0xa4: {  	[sflag:s9] =	ssyncadd.s32 $0xFFFFF000  }
0xa5: {  	_ =	swait.ge [sflag:s10], $0x800  }
0xa6: {  	[sflag:s10] =	ssyncset.done $0x0  }
0xa7: {  	s13 =	sadd.s32 $0x380, s13;
	[sflag:s10] =	ssyncadd.s32 $0xFFFFF800  }
0xa8: {  	[tilespmem:s0], [sflag:$0x4] =	stream.indirect.gather [hbm4b:s5+s26], $0x20, s13, s26, $0xb8;
	[tilespmem:$0xD480] =	vst v63  }
0xa9: {  	_ =	swait.ge [sflag:s24], $0x1000  }
0xaa: {  	[sflag:s24] =	ssyncset.done $0x0  }
0xab: {  	s12 =	simm.s32 $0x1300;
	[sflag:s24] =	ssyncadd.s32 $0xFFFFF000  }
0xac: {  	[spmem:s2] =	stream.indirect.scatter.add.f32 [tilespmem:s28], [sflag:$0x5], $0x20, s12, s26, $0xb8;
	[tilespmem:$0xD480] =	vst v63  }
0xad: {  	_ = 	snop  }
0xae: {  	[spmem:s3] =	stream.indirect.scatter.add.f32 [tilespmem:s19], [sflag:$0x9], $0x10, s12, s26, $0xb8;
	[tilespmem:$0xD480] =	vst v63  }
0xaf: {  	_ =	swait.ge [sflag:s25], $0x1000  }
0xb0: {  	[sflag:s25] =	ssyncset.done $0x0  }
0xb1: {  	s14 =	simm.s32 $0x1380;
	[sflag:s25] =	ssyncadd.s32 $0xFFFFF000  }
0xb2: {  	[spmem:s2] =	stream.indirect.scatter.add.f32 [tilespmem:s29], [sflag:$0x6], $0x20, s14, s26, $0xb8;
	[tilespmem:$0xD480] =	vst v63  }
0xb3: {  	_ = 	snop  }
0xb4: {  	[spmem:s3] =	stream.indirect.scatter.add.f32 [tilespmem:s19], [sflag:$0xA], $0x10, s14, s26, $0xb8;
	[tilespmem:$0xD480] =	vst v63  }
0xb5: {  	_ =	swait.ge [sflag:s20], $0x1000  }
0xb6: {  	[sflag:s20] =	ssyncset.done $0x0  }
0xb7: {  	s13 =	simm.s32 $0x1400;
	[sflag:s20] =	ssyncadd.s32 $0xFFFFF000  }
0xb8: {  	[spmem:s2] =	stream.indirect.scatter.add.f32 [tilespmem:s31], [sflag:$0x7], $0x20, s13, s26, $0xb8;
	[tilespmem:$0xD480] =	vst v63  }
0xb9: {  	_ = 	snop  }
0xba: {  	[spmem:s3] =	stream.indirect.scatter.add.f32 [tilespmem:s19], [sflag:$0xB], $0x10, s13, s26, $0xb8;
	[tilespmem:$0xD480] =	vst v63  }
0xbb: {  	_ =	swait.ge [sflag:s30], $0x1000  }
0xbc: {  	[sflag:s30] =	ssyncset.done $0x0  }
0xbd: {  	s14 =	simm.s32 $0x1480;
	[sflag:s30] =	ssyncadd.s32 $0xFFFFF000  }
0xbe: {  	[spmem:s2] =	stream.indirect.scatter.add.f32 [tilespmem:s0], [sflag:$0x8], $0x20, s14, s26, $0xb8;
	[tilespmem:$0xD480] =	vst v63  }
0xbf: {  	_ = 	snop  }
0xc0: {  	[spmem:s3] =	stream.indirect.scatter.add.f32 [tilespmem:s19], [sflag:$0xC], $0x10, s14, s26, $0xb8;
	[tilespmem:$0xD480] =	vst v63  }
0xc1: {  	_ =	swait.ge [sflag:s21], $0x1000  }
0xc2: {  	[sflag:s21] =	ssyncset.done $0x0  }
0xc3: {  	[sflag:s21] =	ssyncadd.s32 $0xFFFFF000  }
0xc4: {  	_ =	swait.ge [sflag:s22], $0x800  }
0xc5: {  	[sflag:s22] =	ssyncset.done $0x0  }
0xc6: {  	[sflag:s22] =	ssyncadd.s32 $0xFFFFF800  }
0xc7: {  	_ =	swait.ge [sflag:s1], $0x1000  }
0xc8: {  	[sflag:s1] =	ssyncset.done $0x0  }
0xc9: {  	[sflag:s1] =	ssyncadd.s32 $0xFFFFF000  }
0xca: {  	_ =	swait.ge [sflag:s23], $0x800  }
0xcb: {  	[sflag:s23] =	ssyncset.done $0x0  }
0xcc: {  	[sflag:s23] =	ssyncadd.s32 $0xFFFFF800  }
0xcd: {  	_ =	swait.ge [sflag:s6], $0x1000  }
0xce: {  	[sflag:s6] =	ssyncset.done $0x0  }
0xcf: {  	[sflag:s6] =	ssyncadd.s32 $0xFFFFF000  }
0xd0: {  	_ =	swait.ge [sflag:s7], $0x800  }
0xd1: {  	[sflag:s7] =	ssyncset.done $0x0  }
0xd2: {  	[sflag:s7] =	ssyncadd.s32 $0xFFFFF800  }
0xd3: {  	_ =	swait.ge [sflag:s9], $0x1000  }
0xd4: {  	[sflag:s9] =	ssyncset.done $0x0  }
0xd5: {  	[sflag:s9] =	ssyncadd.s32 $0xFFFFF000  }
0xd6: {  	_ =	swait.ge [sflag:s10], $0x800  }
0xd7: {  	[sflag:s10] =	ssyncset.done $0x0  }
0xd8: {  	s13 =	simm.s32 $0xA00;
	[sflag:s10] =	ssyncadd.s32 $0xFFFFF800  }
0xd9: {  	[tilespmem:s28], [sflag:$0x1] =	stream.indirect.gather [hbm4b:s5+s26], $0x20, s13, s26, $0xb8;
	[tilespmem:$0xD480] =	vst v63  }
0xda: {  	s14 =	simm.s32 $0xA80  }
0xdb: {  	[tilespmem:s29], [sflag:$0x2] =	stream.indirect.gather [hbm4b:s5+s26], $0x20, s14, s26, $0xb8;
	[tilespmem:$0xD480] =	vst v63  }
0xdc: {  	_ =	swait.ge [sflag:s24], $0x1000  }
0xdd: {  	[sflag:s24] =	ssyncset.done $0x0  }
0xde: {  	[sflag:s24] =	ssyncadd.s32 $0xFFFFF000  }
0xdf: {  	[spmem:s2] =	stream.indirect.scatter.add.f32 [tilespmem:s28], [sflag:$0x5], $0x20, s15, s26, $0xb8;
	[tilespmem:$0xD480] =	vst v63  }
0xe0: {  	_ = 	snop  }
0xe1: {  	[spmem:s3] =	stream.indirect.scatter.add.f32 [tilespmem:s19], [sflag:$0x9], $0x10, s15, s26, $0xb8;
	[tilespmem:$0xD480] =	vst v63  }
0xe2: {  	_ =	swait.ge [sflag:s25], $0x1000  }
0xe3: {  	[sflag:s25] =	ssyncset.done $0x0  }
0xe4: {  	[sflag:s25] =	ssyncadd.s32 $0xFFFFF000  }
0xe5: {  	[spmem:s2] =	stream.indirect.scatter.add.f32 [tilespmem:s29], [sflag:$0x6], $0x20, s17, s26, $0xb8;
	[tilespmem:$0xD480] =	vst v63  }
0xe6: {  	_ = 	snop  }
0xe7: {  	[spmem:s3] =	stream.indirect.scatter.add.f32 [tilespmem:s19], [sflag:$0xA], $0x10, s17, s26, $0xb8;
	[tilespmem:$0xD480] =	vst v63  }
0xe8: {  	_ =	swait.ge [sflag:s21], $0x1000  }
0xe9: {  	[sflag:s21] =	ssyncset.done $0x0  }
0xea: {  	[sflag:s21] =	ssyncadd.s32 $0xFFFFF000  }
0xeb: {  	_ =	swait.ge [sflag:s22], $0x800  }
0xec: {  	[sflag:s22] =	ssyncset.done $0x0  }
0xed: {  	[sflag:s22] =	ssyncadd.s32 $0xFFFFF800  }
0xee: {  	_ =	swait.ge [sflag:s1], $0x1000  }
0xef: {  	[sflag:s1] =	ssyncset.done $0x0  }
0xf0: {  	[sflag:s1] =	ssyncadd.s32 $0xFFFFF000  }
0xf1: {  	_ =	swait.ge [sflag:s23], $0x800  }
0xf2: {  	[sflag:s23] =	ssyncset.done $0x0  }
0xf3: {  	[sflag:s23] =	ssyncadd.s32 $0xFFFFF800  }
0xf4: {  	[bflag:$0x0] =	sbarrier.arrive $0xFFFF  }
0xf5: {  	s13 =	rddreg [dreg:$0x7]  }
0xf6: {  	s14 =	rddreg [dreg:$0xc];
	s12 =	sor.u32 $0x1C0D, s13  }
0xf7: {  	[hbm:s14], [sflag:s12] =	dma.local [spmem:s16], $0x9E0  }
0xf8: {  	_ =	swait.ge [sflag:s8], $0x9E0  }
0xf9: {  	[sflag:s8] =	ssyncset.done $0x0  }
0xfa: {  	s14 =	rddreg [dreg:$0xd];
	[sflag:s8] =	ssyncadd.s32 $0xFFFFF620  }
0xfb: {  	[hbm:s14], [sflag:s12] =	dma.local [spmem:s18], $0x4F0  }
0xfc: {  	_ =	swait.ge [sflag:s8], $0x4F0  }
0xfd: {  	s11 =	sadd.s32 $0x1, s11;
	s14 =	rddreg [dreg:$0xe]  }
0xfe: {  	p0 =	sne.s32 s11, s14  }
.Ltmp1:
0xff: {  	_ = 	snop;
	(pc) =	sbr.rel @p0 .LBB2_1-.Ltmp1, $3  }
0x100: {  	_ =	sdelay $0x1  }
0x101: {  	[sflag:s8] =	ssyncset.done $0x0  }
0x102: {  	[sflag:s8] =	ssyncadd.s32 $0xFFFFFB10  }
0x103: {  	_ =	sfence.sel $0x180000  }
0x104: {  	[bflag:$0x0] =	sbarrier.arrive $0xFFFF  }
0x105: {  	_ =	strace $0x90000047  }
0x106: {  	s0 =	stileid.u32;
	[bflag:$0x2] =	sbarrier.arrive $0xFFFF  }
0x107: {  	p0 =	sne.s32 s0, $0x0;
	s0 =	rddreg [dreg:$0x4]  }
0x108: {  	s0 =	sadd.s32 @!p0 $0x100000, s0  }
0x109: {  	[sflag:s0] =	ssyncadd.tile.s32 @!p0 $0x1;
	_ =	shalt  }
.Lfunc_end2:
_tile_overlayer_lowered:
.L_overlay_start_2:
0x10a: {  	(tag) =	ssettag $0x2  }
0x10b: {  	s0 =	rddreg [dreg:$0x0];
	s2 =	stileid.u32  }
0x10c: {  	s1 =	rddreg [dreg:$0x1];
	p0 =	sne.s32 s2, $0x0  }
0x10d: {  	s3 =	rddreg [dreg:$0x2];
	[bflag:$0x3] =	sbarrier.arrive $0xFFFF;
	s2 =	simm.s32 @!p0 $0x1C0D  }
0x10e: {  	[timem:s3], [sflag:s2] =	dma.local @!p0 [hbm:s0], s1  }
0x10f: {  	s0 =	simm.s32 @!p0 $0xD  }
0x110: {  	_ =	swait.ge @!p0 [sflag:s0], s1  }
0x111: {  	s1 =	ssub.s32 @!p0 $0x0, s1;
	[sflag:s0] =	ssyncset.done @!p0 $0x0  }
0x112: {  	[sflag:s0] =	ssyncadd.s32 @!p0 s1  }
0x113: {  	[bflag:$0x3] =	sbarrier.arrive $0xFFFF  }
0x114: {  	_ =	shalt  }

// kernel: kernel.8.cloned.1.call-start
scs
__scs_entry_jumppad:
0x0: {  	(pc) =	sbr.rel $0x88, $3  }
0x1: {  	(tag) =	ssettag $0x0;
	lr =	simm.s32 $0x1  }
0x2: {  	[smem:$0x3F9D] =	sst lr;
	_ =	strace $0xD0000000  }
0x3: {  	_ = 	snop  }
0x4: {  	_ = 	snop  }
0x5: {  	_ = 	snop  }
0x6: {  	_ = 	snop  }
0x7: {  	_ = 	snop  }
__scs_overlays_trampoline_lowered:
0x8: {  	[smem:$0x3FAC] =	sst s0  }
0x9: {  	[smem:$0x3FAD] =	sst s1  }
0xa: {  	[smem:$0x3FAE] =	sst s2  }
0xb: {  	[smem:$0x3FAF] =	sst s3  }
0xc: {  	[smem:$0x3FB0] =	sst s4  }
0xd: {  	[smem:$0x3FB1] =	sst s5  }
0xe: {  	[smem:$0x3FB2] =	sst s6  }
0xf: {  	[smem:$0x3FB3] =	sst s7  }
0x10: {  	[smem:$0x3FB4] =	sst s8  }
0x11: {  	[smem:$0x3FB5] =	sst s9;
	s0 =	simm.s32 @!p0 $0x0  }
0x12: {  	s1 =	sld [smem:$0x3F9B];
	s0 =	simm.s32 @p0 $0x1  }
0x13: {  	[smem:$0x3FB6] =	sst s0;
	s0 =	simm.s32 @!p1 $0x0  }
0x14: {  	s2 =	sld [smem:$0x3F9A];
	s0 =	simm.s32 @p1 $0x1  }
0x15: {  	[smem:$0x3FB7] =	sst s0;
	s0 =	simm.s32 @!p2 $0x0  }
0x16: {  	s3 =	sld [smem:$0x3FDB];
	s0 =	simm.s32 @p2 $0x1  }
0x17: {  	s4 =	simm.s32 $0x1BF5;
	[smem:$0x3FB9] =	sst s0  }
0x18: {  	s0 =	sld [smem:$0x3F9C];
	_ =	swait.ge [sflag:s4], $0x0  }
0x19: {  	s7 =	sld [smem:$0x3F9D]  }
0x1a: {  	s8 =	sadd.s32 $0xFFFFE003, lr  }
0x1b: {  	s9 =	sadd.s32 $0xFFFFFEF7, lr;
	s5 =	simm.s32 $0xFFFFFFFF;
	p2 =	slt.u32 s8, $0xFFFFF086  }
0x1c: {  	p1 =	slt.u32 s9, $0xF7A;
	s5 =	simm.s32 @!p2 $0x0  }
0x1d: {  	s5 =	simm.s32 @p1 $0x1;
	p0 =	seq.s32 s7, s2  }
0x1e: {  	s7 =	smul.u32 @!p0 $0xF7A, s2;
	p2 =	seq.s32 @!p0 s5, $0x0  }
0x1f: {  	s9 =	smul.u32 $0xF7A, s1;
	s8 =	simm.s32 @!p0 $0x1BF5;
	p2 =	por !p2, p0  }
0x20: {  	[sflag:s8] =	ssyncset.s32 @!p0 $0xFFFFF086;
	s6 =	sadd.s32 @!p0 s3, s7;
	s7 =	simm.s32 @!p0 $0x108  }
0x21: {  	s3 =	sadd.s32 s3, s9;
	s6 =	sadd.s32 @!p0 $0x88, s6;
	s7 =	simm.s32 @p2 $0x1082  }
0x22: {  	[simem:s7], [sflag:s8] =	dma.local @!p0 [hbm:s6], $0xF7A  }
0x23: {  	s9 =	sor.u32 $0xD0000000, s2;
	s6 =	simm.s32 $0x108;
	_ =	swait.ge @!p0 [sflag:s8], $0x0  }
0x24: {  	s3 =	sadd.s32 $0x88, s3;
	s6 =	simm.s32 @!p1 $0x1082;
	[sflag:s4] =	ssyncset.s32 $0xFFFFF086  }
0x25: {  	[simem:s6], [sflag:s4] =	dma.local [hbm:s3], $0xF7A  }
0x26: {  	[smem:$0x3F9D] =	sst s1;
	(tag) =	ssettag s2;
	_ =	strace s9  }
0x27: {  	s1 =	sld [smem:$0x3FAD]  }
0x28: {  	s2 =	sld [smem:$0x3FAE]  }
0x29: {  	s4 =	sld [smem:$0x3FB0]  }
0x2a: {  	p0 =	seq.s32 s5, $0x0;
	s5 =	sld [smem:$0x3FB1]  }
0x2b: {  	s6 =	sld [smem:$0x3FB2]  }
0x2c: {  	s7 =	sld [smem:$0x3FB3]  }
0x2d: {  	s3 =	simm.s32 $0x108;
	s8 =	sld [smem:$0x3FB4]  }
0x2e: {  	s3 =	simm.s32 @!p0 $0x1082;
	s9 =	sld [smem:$0x3FB5]  }
0x2f: {  	lr =	sadd.s32 s0, s3;
	s0 =	sld [smem:$0x3FAC]  }
0x30: {  	s3 =	sld [smem:$0x3FAF]  }
0x31: {  	[smem:$0x3FB8] =	sst s10  }
0x32: {  	s10 =	sld [smem:$0x3FB6];
	_ =	sdelay $0x3  }
0x33: {  	p0 =	seq.s32 s10, $0x1;
	s10 =	sld [smem:$0x3FB8];
	_ =	sdelay $0x3  }
0x34: {  	[smem:$0x3FB8] =	sst s10  }
0x35: {  	s10 =	sld [smem:$0x3FB7];
	_ =	sdelay $0x3  }
0x36: {  	p1 =	seq.s32 s10, $0x1;
	s10 =	sld [smem:$0x3FB8];
	_ =	sdelay $0x3  }
0x37: {  	[smem:$0x3FB8] =	sst s10  }
0x38: {  	s10 =	sld [smem:$0x3FB9]  }
0x39: {  	_ = 	snop;
	(pc) =	sbr.ind lr, $3  }
0x3a: {  	_ = 	snop  }
0x3b: {  	_ = 	snop  }
0x3c: {  	p2 =	seq.s32 s10, $0x1;
	s10 =	sld [smem:$0x3FB8]  }
0x3d: {  	_ =	shalt  }
0x3e: {  	_ =	shalt  }
0x3f: {  	_ =	shalt  }
0x40: {  	_ =	shalt  }
0x41: {  	_ =	shalt  }
0x42: {  	_ =	shalt  }
0x43: {  	_ =	shalt  }
0x44: {  	_ =	shalt  }
0x45: {  	_ =	shalt  }
0x46: {  	_ =	shalt  }
0x47: {  	_ =	shalt  }
0x48: {  	_ =	shalt  }
0x49: {  	_ =	shalt  }
0x4a: {  	_ =	shalt  }
0x4b: {  	_ =	shalt  }
0x4c: {  	_ =	shalt  }
0x4d: {  	_ =	shalt  }
0x4e: {  	_ =	shalt  }
0x4f: {  	_ =	shalt  }
0x50: {  	_ =	shalt  }
0x51: {  	_ =	shalt  }
0x52: {  	_ =	shalt  }
0x53: {  	_ =	shalt  }
0x54: {  	_ =	shalt  }
0x55: {  	_ =	shalt  }
0x56: {  	_ =	shalt  }
0x57: {  	_ =	shalt  }
0x58: {  	_ =	shalt  }
0x59: {  	_ =	shalt  }
0x5a: {  	_ =	shalt  }
0x5b: {  	_ =	shalt  }
0x5c: {  	_ =	shalt  }
0x5d: {  	_ =	shalt  }
0x5e: {  	_ =	shalt  }
0x5f: {  	_ =	shalt  }
0x60: {  	_ =	shalt  }
0x61: {  	_ =	shalt  }
0x62: {  	_ =	shalt  }
0x63: {  	_ =	shalt  }
0x64: {  	_ =	shalt  }
0x65: {  	_ =	shalt  }
0x66: {  	_ =	shalt  }
0x67: {  	_ =	shalt  }
0x68: {  	_ =	shalt  }
0x69: {  	_ =	shalt  }
0x6a: {  	_ =	shalt  }
0x6b: {  	_ =	shalt  }
0x6c: {  	_ =	shalt  }
0x6d: {  	_ =	shalt  }
0x6e: {  	_ =	shalt  }
0x6f: {  	_ =	shalt  }
0x70: {  	_ =	shalt  }
0x71: {  	_ =	shalt  }
0x72: {  	_ =	shalt  }
0x73: {  	_ =	shalt  }
0x74: {  	_ =	shalt  }
0x75: {  	_ =	shalt  }
0x76: {  	_ =	shalt  }
0x77: {  	_ =	shalt  }
0x78: {  	_ =	shalt  }
0x79: {  	_ =	shalt  }
0x7a: {  	_ =	shalt  }
0x7b: {  	_ =	shalt  }
0x7c: {  	_ =	shalt  }
0x7d: {  	_ =	shalt  }
0x7e: {  	_ =	shalt  }
0x7f: {  	_ =	shalt  }
0x80: {  	_ =	shalt  }
0x81: {  	_ =	shalt  }
0x82: {  	_ =	shalt  }
0x83: {  	_ =	shalt  }
0x84: {  	_ =	shalt  }
0x85: {  	_ =	shalt  }
0x86: {  	_ =	shalt  }
0x87: {  	_ =	shalt  }
.Lfunc_end0:
.L_simem_size_0:
called_computation.1_lowered:
.L_overlay_start_0:
0x88: {  	s2 =	sld [smem:$0x3FD9]  }
0x89: {  	s3 =	sld [smem:$0x3FFE];
	_ =	sdelay $0x1  }
0x8a: {  	s1 =	srdreg.scid  }
0x8b: {  	s0 =	sand.u32 $0x1, s1  }
0x8c: {  	s17 =	sshll.u32 s0, $0xA;
	s2 =	sadd.s32 s3, s2  }
0x8d: {  	s2 =	sadd.s32 s2, s17  }
0x8e: {  	[smem:$0x3FC4] =	sst s2  }
0x8f: {  	_ = 	snop  }
0x90: {  	s2 =	sld [smem:$0x3FD0];
	(tm) =	ssettm $0x1  }
0x91: {  	s18 =	sld [smem:$0x3FFB];
	_ =	sdelay $0x3  }
0x92: {  	_ =	strace s18  }
0x93: {  	s3 =	sld [smem:$0x3FFC];
	_ =	sdelay $0x3  }
0x94: {  	_ =	strace s3  }
0x95: {  	s3 =	sld [smem:$0x3FFD];
	_ =	sdelay $0x3  }
0x96: {  	_ =	strace s3  }
0x97: {  	_ =	strace $0x8FFFFFFF  }
0x98: {  	s19 =	sld [smem:$0x3FDB];
	_ =	sdelay $0x1  }
0x99: {  	s4 =	simm.s32 $_scs_section_size  }
0x9a: {  	s5 =	simm.s32 $_size__tile_overlayer_lowered;
	s6 =	simm.s32 $_tile_overlayer_lowered  }
0x9b: {  	s22 =	simm.s32 $0x1BFF;
	s21 =	sshll.u32 s6, $0x1;
	s3 =	sadd.s32 s4, s19  }
0x9c: {  	s7 =	simm.s32 $0x0;
	s20 =	sshll.u32 s5, $0x1;
	s5 =	sadd.s32 s21, s3  }
0x9d: {  	[timem:s7], [sflag:s22] =	dma.local [hbm:s5], s20  }
0x9e: {  	_ =	swait.ge [sflag:s22], s20  }
0x9f: {  	s4 =	ssub.s32 $0x0, s20;
	[sflag:s22] =	ssyncset.done $0x0  }
0xa0: {  	[sflag:s22] =	ssyncadd.s32 s4;
	_ =	sdelay $0x1  }
0xa1: {  	s23 =	simm.s32 $0x1B8B  }
0xa2: {  	_ =	swait.ge [sflag:s23], $0x1  }
0xa3: {  	[sflag:s23] =	ssyncset.done $0x0  }
0xa4: {  	s25 =	simm.s32 $0x1B8E;
	s24 =	sld [smem:$0x3FFE];
	[sflag:s23] =	ssyncadd.s32 $0xFFFFFFFF  }
0xa5: {  	s26 =	simm.s32 $execute0_lowered;
	[smem:$0x3FD2] =	sst s25  }
0xa6: {  	s5 =	sshll.u32 s26, $0x1;
	_ =	strace $0x80000049;
	[dreg:$0x1] =	wrdreg $0xFFFFFFFF  }
0xa7: {  	s28 =	simm.s32 $_size_execute0_lowered;
	s3 =	sadd.s32 s3, s5;
	[dreg:$0x0] =	wrdreg $0x0  }
0xa8: {  	s5 =	sshll.u32 s28, $0x1;
	[dreg:$0x2] =	wrdreg s3  }
0xa9: {  	[dreg:$0x3] =	wrdreg s5  }
0xaa: {  	[dreg:$0x4] =	wrdreg $0xC0  }
0xab: {  	_ =	task [dreg:s7], $0x5FFFF  }
0xac: {  	[dreg:$0x1] =	wrdreg $0xFFFFFFFF  }
0xad: {  	[dreg:$0x0] =	wrdreg $0x60  }
0xae: {  	[dreg:$0x2] =	wrdreg s24  }
0xaf: {  	[dreg:$0x3] =	wrdreg s2  }
0xb0: {  	[dreg:$0x4] =	wrdreg $0x9  }
0xb1: {  	_ =	task.clear_ibuf [dreg:s7], $0x5FFFF;
	_ =	strace $0x90000049  }
0xb2: {  	s29 =	simm.s32 $0x9;
	_ =	strace $0x8000004B  }
0xb3: {  	_ =	swait.ge [sflag:s29], $0x1  }
0xb4: {  	[sflag:s29] =	ssyncadd.s32 $0xFFFFFFFF  }
0xb5: {  	_ =	strace $0x9000004B  }
0xb6: {  	_ =	sfence  }
0xb7: {  	s30 =	sld [smem:$0x0];
	_ =	sdelay $0x2  }
0xb8: {  	s31 =	sshll.u32 s1, $0xD;
	s1 =	sshrl.u32 s1, $0x2  }
0xb9: {  	s3 =	sand.u32 $0x4000, s31;
	s1 =	sadd.s32 s1, s30  }
0xba: {  	s0 =	sor.u32 s3, s0;
	s1 =	sshll.u32 s1, $0x11  }
0xbb: {  	s0 =	sor.u32 s1, s0  }
0xbc: {  	s0 =	sadd.s32 $0x8F2B, s0  }
0xbd: {  	[sflag:s0] =	ssyncadd.remote.s32 $0x1  }
0xbe: {  	_ =	sfence.sel $0xFFFF  }
0xbf: {  	[dreg:$0x0] =	wrdreg $0xFFFFFFFF;
	(pc) =	sbr.abs _section_cstart, $3  }
0xc0: {  	[dreg:$0x1] =	wrdreg $0xFFFFFFFF  }
0xc1: {  	_ =	task.clear_ibuf [dreg:s7], $0x2FFFF;
	_ =	strace $0x9FFFFFFF  }
0xc2: {  	(tm) =	ssettm $0x7FFFFFFF  }
0xc3: {  	_ =	shalt  }
tec
execute0_lowered:
.L_overlay_start_1:
0x0: {  	(tag) =	ssettag $0x1  }
0x1: {  	s0 =	srdreg.scid;
	s10 =	rddreg [dreg:$0x0]  }
0x2: {  	s2 =	rddreg [dreg:$0x1];
	s1 =	stileid.u32;
	s3 =	simm.s32 $0x0  }
0x3: {  	s15 =	simm.s32 $0x5200;
	s16 =	simm.s32 $0x6680;
	s17 =	simm.s32 $0x1  }
0x4: {  	s18 =	simm.s32 $0x2;
	s19 =	simm.s32 $0x7B00;
	s20 =	simm.s32 $0x3  }
0x5: {  	s21 =	simm.s32 $0x0;
	s4 =	sand.u32 $0x1, s0;
	s0 =	rddreg [dreg:$0x2]  }
0x6: {  	[smem:$0x7FF] =	sst s3;
	s5 =	sshll.u32 s4, $0x4;
	s6 =	ssub.s32 $0x2, s4  }
0x7: {  	_ =	strace $0x8000004A;
	s14 =	sor.u32 s1, s5;
	s7 =	sshrl.u32 s6, $0x1  }
0x8: {  	s4 =	sadd.s32 $0x15C00, s10;
	s5 =	smul.u32 $0x138, s14;
	s13 =	ssub.s32 s6, s7  }
.Ltmp0:
0x9: {  	s7 =	sadd.s32 $0x1FA00, s10;
	p0 =	sne.s32 s14, $0x0;
	(pc) =	sbr.rel .LBB2_1-.Ltmp0, $4  }
0xa: {  	s14 =	simm.s32 $0x2900;
	s13 =	smax.u32 s13, $0x1;
	s8 =	sadd.s32 $0x10, s5  }
0xb: {  	s5 =	sadd.s32 $0x29800, s10;
	s10 =	sadd.s32 $0x2E700, s10;
	s12 =	sshll.u32 s8, $0x2  }
0xc: {  	s11 =	sshll.u32 s8, $0x1;
	s6 =	sadd.s32 s4, s12;
	s8 =	sadd.s32 s12, s7  }
0xd: {  	s9 =	sadd.s32 s5, s11;
	s11 =	sadd.s32 s11, s10;
	s12 =	sadd.s32 s2, s12  }
.LBB2_8:
0xe: {  	s21 =	sadd.s32 $0x1, s21  }
0xf: {  	p1 =	sne.s32 s21, s13  }
.Ltmp1:
0x10: {  	_ = 	snop;
	(pc) =	sbr.rel @!p1 .LBB2_9-.Ltmp1, $1  }
0x11: {  	_ =	sdelay $0x3  }
.LBB2_1:
.Ltmp2:
0x12: {  	(pc) =	sbr.rel @!p0 .LBB2_2-.Ltmp2, $1  }
0x13: {  	_ =	sdelay $0x3  }
0x14: {  	[tilespmem:s3], [sflag:$0x1] =	stream.linear.gather [hbm4b:s6+s3], $0x2700, $0x38;
	[tilespmem:$0xA400] =	vst v63  }
0x15: {  	_ = 	snop  }
0x16: {  	[tilespmem:s14], [sflag:$0x1] =	stream.linear.gather [hbm4b:s8+s3], $0x2700, $0x38;
	[tilespmem:$0xA400] =	vst v63  }
0x17: {  	_ = 	snop  }
0x18: {  	[tilespmem:s15], [sflag:$0x2] =	stream.linear.gather [hbm4b:s9+s3], $0x1380, $0x38;
	[tilespmem:$0xA400] =	vst v63  }
0x19: {  	_ = 	snop  }
0x1a: {  	[tilespmem:s16], [sflag:$0x2] =	stream.linear.gather [hbm4b:s11+s3], $0x1380, $0x38;
	[tilespmem:$0xA400] =	vst v63  }
0x1b: {  	_ =	swait.ge [sflag:s17], $0x2700  }
0x1c: {  	[sflag:s17] =	ssyncset.done $0x0  }
0x1d: {  	[sflag:s17] =	ssyncadd.s32 $0xFFFFD900  }
0x1e: {  	_ =	swait.ge [sflag:s17], $0x2700  }
0x1f: {  	[sflag:s17] =	ssyncset.done $0x0  }
0x20: {  	[sflag:s17] =	ssyncadd.s32 $0xFFFFD900  }
0x21: {  	_ =	swait.ge [sflag:s18], $0x1380  }
0x22: {  	[sflag:s18] =	ssyncset.done $0x0  }
0x23: {  	[sflag:s18] =	ssyncadd.s32 $0xFFFFEC80  }
0x24: {  	_ =	swait.ge [sflag:s18], $0x1380  }
0x25: {  	[sflag:s18] =	ssyncset.done $0x0  }
0x26: {  	s22 =	simm.s32 $0x5220;
	[sflag:s18] =	ssyncadd.s32 $0xFFFFEC80  }
0x27: {  	s23 =	simm.s32 $0x66A0;
	v0 =	vld [tilespmem:s22+$0x10]  }
0x28: {  	v1 =	vld [tilespmem:s23+$0x10];
	_ =	sdelay $0x3  }
0x29: {  	v2 =	vld [tilespmem:s23+$0xFFFFFFE0]  }
0x2a: {  	v3 =	vld [tilespmem:s22+$0xFFFFFFF0];
	v0 =	vadd.f32 v1, v0  }
0x2b: {  	v4 =	vld [tilespmem:s22+$0x0]  }
0x2c: {  	v1 =	vld [tilespmem:s23+$0xFFFFFFF0];
	v0 =	vmax.f32 v0, $1.000000000e+00  }
0x2d: {  	v5 =	vld [tilespmem:s23+$0x0];
	(erf) = vrcp.f32 v0  }
0x2e: {  	v0 =	vld [tilespmem:s22+$0xFFFFFFE0]  }
0x2f: {  	s26 =	simm.s32 $0x40  }
0x30: {  	s28 =	simm.s32 $0x2940;
	v6 =	vld [tilespmem:s26+$0x20]  }
0x31: {  	v7 =	vld [tilespmem:s28+$0x20];
	v1 =	vadd.f32 v1, v3  }
0x32: {  	v3 =	vadd.f32 v5, v4  }
0x33: {  	v1 =	vmax.f32 v1, $1.000000000e+00;
	v0 =	vadd.f32 v2, v0  }
0x34: {  	(erf) = vrcp.f32 v1;
	v1 =	vmax.f32 v3, $1.000000000e+00  }
0x35: {  	s24 =	simm.s32 $0x5260;
	v8 =	vld [tilespmem:s28+$0x0];
	(erf) = vrcp.f32 v1;
	v0 =	vmax.f32 v0, $1.000000000e+00  }
0x36: {  	v11 =	vld [tilespmem:s24+$0x10];
	s23 =	simm.s32 $0x66E0;
	v4 =	vadd.f32 v7, v6;
	v7 =	vpop (erf);
	(erf) = vrcp.f32 v0  }
0x37: {  	v12 =	vld [tilespmem:s23+$0x10]  }
0x38: {  	v2 =	vld [tilespmem:s26+$0xFFFFFFC0]  }
0x39: {  	v3 =	vld [tilespmem:s28+$0xFFFFFFC0];
	v0 =	vmul.f32 v7, v4  }
0x3a: {  	v5 =	vld [tilespmem:s26+$0xFFFFFFE0]  }
0x3b: {  	v6 =	vld [tilespmem:s28+$0xFFFFFFE0]  }
0x3c: {  	v13 =	vld [tilespmem:s23+$0xFFFFFFE0];
	s22 =	simm.s32 $0x7B40  }
0x3d: {  	v15 =	vld [tilespmem:s23+$0xFFFFFFF0];
	[tilespmem:s22+$0x20] =	vst v0;
	v0 =	vpop (erf)  }
0x3e: {  	v16 =	vld [tilespmem:s23+$0x0];
	v2 =	vadd.f32 v3, v2;
	v1 =	vpop (erf)  }
0x3f: {  	v3 =	vld [tilespmem:s24+$0xFFFFFFF0];
	v14 =	vpop (erf)  }
0x40: {  	v11 =	vadd.f32 v12, v11;
	v5 =	vadd.f32 v6, v5;
	v6 =	vld [tilespmem:s24+$0x0];
	v2 =	vmul.f32 v14, v2  }
0x41: {  	v12 =	vld [tilespmem:s24+$0xFFFFFFE0]  }
0x42: {  	v4 =	vld [tilespmem:s26+$0x0];
	v5 =	vmul.f32 v0, v5;
	[tilespmem:s22+$0xFFFFFFC0] =	vst v2;
	v2 =	vmax.f32 v11, $1.000000000e+00  }
0x43: {  	v11 =	vld [tilespmem:s26+$0xFFFFFFD0];
	(erf) = vrcp.f32 v2  }
0x44: {  	s25 =	simm.s32 $0x29C0;
	v3 =	vadd.f32 v15, v3;
	[tilespmem:s22+$0xFFFFFFE0] =	vst v5;
	v5 =	vld [tilespmem:s28+$0xFFFFFFD0]  }
0x45: {  	v63 =	vld [tilespmem:s25+$0x20];
	v6 =	vadd.f32 v16, v6  }
0x46: {  	v18 =	vld [tilespmem:s25+$0xFFFFFFC0];
	v3 =	vmax.f32 v3, $1.000000000e+00  }
0x47: {  	v9 =	vld [tilespmem:s26+$0x30];
	(erf) = vrcp.f32 v3;
	v3 =	vmax.f32 v6, $1.000000000e+00  }
0x48: {  	s24 =	simm.s32 $0xC0;
	v10 =	vld [tilespmem:s28+$0x30];
	(erf) = vrcp.f32 v3;
	v3 =	vadd.f32 v8, v4  }
0x49: {  	v12 =	vadd.f32 v13, v12;
	v15 =	vld [tilespmem:s24+$0x20];
	v5 =	vadd.f32 v5, v11  }
0x4a: {  	v19 =	vld [tilespmem:s25+$0xFFFFFFE0]  }
0x4b: {  	v17 =	vld [tilespmem:s24+$0xFFFFFFC0];
	v13 =	vmul.f32 v5, v14;
	v5 =	vmax.f32 v12, $1.000000000e+00  }
0x4c: {  	v20 =	vld [tilespmem:s24+$0x0];
	v4 =	vmul.f32 v1, v3;
	v3 =	vpop (erf);
	(erf) = vrcp.f32 v5  }
0x4d: {  	v8 =	vld [tilespmem:s24+$0xFFFFFFE0]  }
0x4e: {  	v9 =	vadd.f32 v10, v9;
	v10 =	vld [tilespmem:s25+$0x0];
	v6 =	vadd.f32 v63, v15  }
0x4f: {  	v2 =	vld [tilespmem:s26+$0xFFFFFFF0]  }
0x50: {  	v7 =	vmul.f32 v9, v7;
	[tilespmem:s22+$0x0] =	vst v4;
	v11 =	vmul.f32 v3, v6;
	v6 =	vld [tilespmem:s28+$0xFFFFFFF0]  }
0x51: {  	v4 =	vld [tilespmem:s26+$0x10];
	s26 =	simm.s32 $0x7BC0  }
0x52: {  	v14 =	vadd.f32 v19, v8;
	v9 =	vld [tilespmem:s28+$0x10];
	[tilespmem:s26+$0x20] =	vst v11  }
0x53: {  	s31 =	simm.s32 $0x52A0;
	[tilespmem:s22+$0x30] =	vst v7;
	v5 =	vpop (erf);
	v8 =	vld [tilespmem:s24+$0x30]  }
0x54: {  	s30 =	simm.s32 $0xC0;
	s29 =	simm.s32 $0x29C0;
	[tilespmem:s22+$0xFFFFFFD0] =	vst v13;
	v13 =	vadd.f32 v10, v20;
	s28 =	simm.s32 $0x4;
	v12 =	vmul.f32 v5, v14;
	v7 =	vpop (erf);
	v11 =	vadd.f32 v18, v17;
	v10 =	vld [tilespmem:s25+$0x30]  }
.LBB2_6:
0x55: {  	v14 =	vld [tilespmem:s31+$0x10];
	s23 =	sadd.s32 $0x40, s23;
	v15 =	vpop (erf);
	v2 =	vadd.f32 v6, v2  }
0x56: {  	v6 =	vld [tilespmem:s23+$0x10];
	v11 =	vmul.f32 v15, v11;
	[tilespmem:s26+$0xFFFFFFE0] =	vst v12;
	v12 =	vmul.f32 v7, v13  }
0x57: {  	s28 =	sadd.s32 $0x4, s28;
	v13 =	vld [tilespmem:s23+$0xFFFFFFE0];
	v2 =	vmul.f32 v2, v0;
	v4 =	vadd.f32 v9, v4;
	v0 =	vmov v5  }
0x58: {  	p1 =	slt.u32 s28, $0x134;
	v5 =	vld [tilespmem:s31+$0xFFFFFFF0];
	[tilespmem:s26+$0xFFFFFFC0] =	vst v11  }
0x59: {  	v9 =	vld [tilespmem:s23+$0xFFFFFFF0];
	[tilespmem:s26+$0x0] =	vst v12;
	v8 =	vadd.f32 v10, v8;
	v4 =	vmul.f32 v4, v1;
	v1 =	vmov v7  }
0x5a: {  	v7 =	vld [tilespmem:s31+$0x0];
	[tilespmem:s22+$0xFFFFFFF0] =	vst v2  }
0x5b: {  	v10 =	vld [tilespmem:s23+$0x0];
	v2 =	vadd.f32 v6, v14;
	v3 =	vmul.f32 v8, v3;
	[tilespmem:s22+$0x10] =	vst v4;
	s22 =	smov.u32 s26  }
0x5c: {  	v4 =	vld [tilespmem:s31+$0xFFFFFFE0]  }
0x5d: {  	v2 =	vmax.f32 v2, $1.000000000e+00;
	v6 =	vld [tilespmem:s24+$0xFFFFFFD0];
	[tilespmem:s26+$0x30] =	vst v3  }
0x5e: {  	v3 =	vadd.f32 v9, v5;
	(erf) = vrcp.f32 v2;
	v5 =	vld [tilespmem:s25+$0xFFFFFFD0]  }
0x5f: {  	s24 =	sadd.s32 $0x80, s24;
	v2 =	vld [tilespmem:s30+$0xFFFFFFF0]  }
0x60: {  	s25 =	sadd.s32 $0x80, s25;
	v3 =	vmax.f32 v3, $1.000000000e+00;
	v7 =	vadd.f32 v10, v7;
	v8 =	vld [tilespmem:s24+$0x20]  }
0x61: {  	v4 =	vadd.f32 v13, v4;
	v9 =	vld [tilespmem:s25+$0x20];
	(erf) = vrcp.f32 v3  }
0x62: {  	v10 =	vld [tilespmem:s24+$0xFFFFFFC0];
	v3 =	vmax.f32 v7, $1.000000000e+00  }
0x63: {  	v4 =	vmax.f32 v4, $1.000000000e+00;
	v7 =	vld [tilespmem:s25+$0xFFFFFFC0];
	(erf) = vrcp.f32 v3;
	v3 =	vadd.f32 v5, v6  }
0x64: {  	v5 =	vld [tilespmem:s24+$0xFFFFFFE0];
	(erf) = vrcp.f32 v4  }
0x65: {  	v12 =	vld [tilespmem:s25+$0xFFFFFFE0];
	v4 =	vmul.f32 v3, v15  }
0x66: {  	v13 =	vld [tilespmem:s24+$0x0];
	v6 =	vadd.f32 v9, v8  }
0x67: {  	v14 =	vld [tilespmem:s25+$0x0];
	v3 =	vpop (erf);
	[tilespmem:s26+$0xFFFFFFD0] =	vst v4  }
.Ltmp3:
0x68: {  	v11 =	vadd.f32 v7, v10;
	v7 =	vmul.f32 v3, v6;
	v6 =	vld [tilespmem:s29+$0xFFFFFFF0];
	(pc) =	sbr.rel @p1 .LBB2_6-.Ltmp3, $4  }
0x69: {  	s26 =	sadd.s32 $0x80, s26;
	v4 =	vld [tilespmem:s30+$0x10];
	s30 =	smov.u32 s24  }
0x6a: {  	v10 =	vadd.f32 v12, v5;
	[tilespmem:s26+$0x20] =	vst v7;
	v5 =	vpop (erf);
	v9 =	vld [tilespmem:s29+$0x10];
	s29 =	smov.u32 s25  }
0x6b: {  	v8 =	vld [tilespmem:s24+$0x30]  }
0x6c: {  	s31 =	sadd.s32 $0x40, s31;
	v12 =	vmul.f32 v5, v10;
	v13 =	vadd.f32 v14, v13;
	v10 =	vld [tilespmem:s25+$0x30];
	v7 =	vpop (erf)  }
0x6d: {  	v14 =	vpop (erf)  }
0x6e: {  	v11 =	vmul.f32 v14, v11;
	[tilespmem:s26+$0xFFFFFFE0] =	vst v12  }
0x6f: {  	v15 =	vld [tilespmem:s30+$0xFFFFFFF0]  }
0x70: {  	v52 =	vmul.f32 v7, v13;
	v54 =	vld [tilespmem:s29+$0xFFFFFFF0];
	[tilespmem:s26+$0xFFFFFFC0] =	vst v11  }
0x71: {  	v11 =	vld [tilespmem:s24+$0xFFFFFFD0]  }
0x72: {  	[tilespmem:s26+$0x0] =	vst v52;
	v53 =	vld [tilespmem:s25+$0xFFFFFFD0]  }
0x73: {  	v16 =	vld [tilespmem:s30+$0x10]  }
0x74: {  	v2 =	vadd.f32 v6, v2;
	v55 =	vld [tilespmem:s29+$0x10]  }
0x75: {  	v4 =	vadd.f32 v9, v4  }
0x76: {  	v0 =	vmul.f32 v2, v0;
	v56 =	vadd.f32 v10, v8  }
0x77: {  	v1 =	vmul.f32 v4, v1;
	v59 =	vadd.f32 v54, v15  }
0x78: {  	[tilespmem:s22+$0xFFFFFFF0] =	vst v0;
	v58 =	vmul.f32 v56, v3;
	v57 =	vadd.f32 v53, v11  }
0x79: {  	[tilespmem:s22+$0x10] =	vst v1;
	v61 =	vadd.f32 v55, v16;
	v62 =	vmul.f32 v59, v5  }
0x7a: {  	[tilespmem:s26+$0x30] =	vst v58;
	v60 =	vmul.f32 v57, v14  }
0x7b: {  	v63 =	vmul.f32 v61, v7;
	[tilespmem:s26+$0xFFFFFFF0] =	vst v62  }
0x7c: {  	[tilespmem:s26+$0xFFFFFFD0] =	vst v60  }
.Ltmp4:
0x7d: {  	[tilespmem:s26+$0x10] =	vst v63;
	(pc) =	sbr.rel .LBB2_8-.Ltmp4, $4  }
0x7e: {  	[hbm4b:s12+s3] =	stream.linear.scatter [tilespmem:s19], [sflag:$0x3], $0x2700, $0x38;
	[tilespmem:$0xA400] =	vst v63  }
0x7f: {  	_ =	swait.ge [sflag:s20], $0x2700  }
0x80: {  	[sflag:s20] =	ssyncset.done $0x0  }
0x81: {  	[sflag:s20] =	ssyncadd.s32 $0xFFFFD900  }
.LBB2_2:
0x82: {  	[tilespmem:s3], [sflag:$0x1] =	stream.linear.gather [hbm4b:s4+s3], $0x2900, $0x38;
	[tilespmem:$0xA400] =	vst v63  }
0x83: {  	_ = 	snop  }
0x84: {  	[tilespmem:s14], [sflag:$0x1] =	stream.linear.gather [hbm4b:s7+s3], $0x2900, $0x38;
	[tilespmem:$0xA400] =	vst v63  }
0x85: {  	_ = 	snop  }
0x86: {  	[tilespmem:s15], [sflag:$0x2] =	stream.linear.gather [hbm4b:s5+s3], $0x1480, $0x38;
	[tilespmem:$0xA400] =	vst v63  }
0x87: {  	_ = 	snop  }
0x88: {  	[tilespmem:s16], [sflag:$0x2] =	stream.linear.gather [hbm4b:s10+s3], $0x1480, $0x38;
	[tilespmem:$0xA400] =	vst v63  }
0x89: {  	_ =	swait.ge [sflag:s17], $0x2900  }
0x8a: {  	[sflag:s17] =	ssyncset.done $0x0  }
0x8b: {  	[sflag:s17] =	ssyncadd.s32 $0xFFFFD700  }
0x8c: {  	_ =	swait.ge [sflag:s17], $0x2900  }
0x8d: {  	[sflag:s17] =	ssyncset.done $0x0  }
0x8e: {  	[sflag:s17] =	ssyncadd.s32 $0xFFFFD700  }
0x8f: {  	_ =	swait.ge [sflag:s18], $0x1480  }
0x90: {  	[sflag:s18] =	ssyncset.done $0x0  }
0x91: {  	[sflag:s18] =	ssyncadd.s32 $0xFFFFEB80  }
0x92: {  	_ =	swait.ge [sflag:s18], $0x1480  }
0x93: {  	[sflag:s18] =	ssyncset.done $0x0  }
0x94: {  	s22 =	simm.s32 $0x5220;
	[sflag:s18] =	ssyncadd.s32 $0xFFFFEB80  }
0x95: {  	s23 =	simm.s32 $0x66A0;
	v0 =	vld [tilespmem:s22+$0x10]  }
0x96: {  	v1 =	vld [tilespmem:s23+$0x10];
	_ =	sdelay $0x3  }
0x97: {  	v2 =	vld [tilespmem:s23+$0xFFFFFFE0]  }
0x98: {  	v3 =	vld [tilespmem:s22+$0xFFFFFFF0];
	v0 =	vadd.f32 v1, v0  }
0x99: {  	v4 =	vld [tilespmem:s22+$0x0]  }
0x9a: {  	v1 =	vld [tilespmem:s23+$0xFFFFFFF0];
	v0 =	vmax.f32 v0, $1.000000000e+00  }
0x9b: {  	v5 =	vld [tilespmem:s23+$0x0];
	(erf) = vrcp.f32 v0  }
0x9c: {  	v0 =	vld [tilespmem:s22+$0xFFFFFFE0]  }
0x9d: {  	s26 =	simm.s32 $0x40  }
0x9e: {  	s28 =	simm.s32 $0x2940;
	v6 =	vld [tilespmem:s26+$0x20]  }
0x9f: {  	v7 =	vld [tilespmem:s28+$0x20];
	v1 =	vadd.f32 v1, v3  }
0xa0: {  	v3 =	vadd.f32 v5, v4  }
0xa1: {  	v1 =	vmax.f32 v1, $1.000000000e+00;
	v0 =	vadd.f32 v2, v0  }
0xa2: {  	(erf) = vrcp.f32 v1;
	v1 =	vmax.f32 v3, $1.000000000e+00  }
0xa3: {  	s24 =	simm.s32 $0x5260;
	v8 =	vld [tilespmem:s28+$0x0];
	(erf) = vrcp.f32 v1;
	v0 =	vmax.f32 v0, $1.000000000e+00  }
0xa4: {  	v11 =	vld [tilespmem:s24+$0x10];
	s23 =	simm.s32 $0x66E0;
	v4 =	vadd.f32 v7, v6;
	v7 =	vpop (erf);
	(erf) = vrcp.f32 v0  }
0xa5: {  	v12 =	vld [tilespmem:s23+$0x10]  }
0xa6: {  	v2 =	vld [tilespmem:s26+$0xFFFFFFC0]  }
0xa7: {  	v3 =	vld [tilespmem:s28+$0xFFFFFFC0];
	v0 =	vmul.f32 v7, v4  }
0xa8: {  	v5 =	vld [tilespmem:s26+$0xFFFFFFE0]  }
0xa9: {  	v6 =	vld [tilespmem:s28+$0xFFFFFFE0]  }
0xaa: {  	v13 =	vld [tilespmem:s23+$0xFFFFFFE0];
	s22 =	simm.s32 $0x7B40  }
0xab: {  	v15 =	vld [tilespmem:s23+$0xFFFFFFF0];
	[tilespmem:s22+$0x20] =	vst v0;
	v0 =	vpop (erf)  }
0xac: {  	v16 =	vld [tilespmem:s23+$0x0];
	v2 =	vadd.f32 v3, v2;
	v1 =	vpop (erf)  }
0xad: {  	v3 =	vld [tilespmem:s24+$0xFFFFFFF0];
	v14 =	vpop (erf)  }
0xae: {  	v11 =	vadd.f32 v12, v11;
	v5 =	vadd.f32 v6, v5;
	v6 =	vld [tilespmem:s24+$0x0];
	v2 =	vmul.f32 v14, v2  }
0xaf: {  	v12 =	vld [tilespmem:s24+$0xFFFFFFE0]  }
0xb0: {  	v4 =	vld [tilespmem:s26+$0x0];
	v5 =	vmul.f32 v0, v5;
	[tilespmem:s22+$0xFFFFFFC0] =	vst v2;
	v2 =	vmax.f32 v11, $1.000000000e+00  }
0xb1: {  	v11 =	vld [tilespmem:s26+$0xFFFFFFD0];
	(erf) = vrcp.f32 v2  }
0xb2: {  	s25 =	simm.s32 $0x29C0;
	v3 =	vadd.f32 v15, v3;
	[tilespmem:s22+$0xFFFFFFE0] =	vst v5;
	v5 =	vld [tilespmem:s28+$0xFFFFFFD0]  }
0xb3: {  	v63 =	vld [tilespmem:s25+$0x20];
	v6 =	vadd.f32 v16, v6  }
0xb4: {  	v18 =	vld [tilespmem:s25+$0xFFFFFFC0];
	v3 =	vmax.f32 v3, $1.000000000e+00  }
0xb5: {  	v9 =	vld [tilespmem:s26+$0x30];
	(erf) = vrcp.f32 v3;
	v3 =	vmax.f32 v6, $1.000000000e+00  }
0xb6: {  	s24 =	simm.s32 $0xC0;
	v10 =	vld [tilespmem:s28+$0x30];
	(erf) = vrcp.f32 v3;
	v3 =	vadd.f32 v8, v4  }
0xb7: {  	v12 =	vadd.f32 v13, v12;
	v15 =	vld [tilespmem:s24+$0x20];
	v5 =	vadd.f32 v5, v11  }
0xb8: {  	v19 =	vld [tilespmem:s25+$0xFFFFFFE0]  }
0xb9: {  	v17 =	vld [tilespmem:s24+$0xFFFFFFC0];
	v13 =	vmul.f32 v5, v14;
	v5 =	vmax.f32 v12, $1.000000000e+00  }
0xba: {  	v20 =	vld [tilespmem:s24+$0x0];
	v4 =	vmul.f32 v1, v3;
	v3 =	vpop (erf);
	(erf) = vrcp.f32 v5  }
0xbb: {  	v8 =	vld [tilespmem:s24+$0xFFFFFFE0]  }
0xbc: {  	v9 =	vadd.f32 v10, v9;
	v10 =	vld [tilespmem:s25+$0x0];
	v6 =	vadd.f32 v63, v15  }
0xbd: {  	v2 =	vld [tilespmem:s26+$0xFFFFFFF0]  }
0xbe: {  	v7 =	vmul.f32 v9, v7;
	[tilespmem:s22+$0x0] =	vst v4;
	v11 =	vmul.f32 v3, v6;
	v6 =	vld [tilespmem:s28+$0xFFFFFFF0]  }
0xbf: {  	v4 =	vld [tilespmem:s26+$0x10];
	s26 =	simm.s32 $0x7BC0  }
0xc0: {  	v14 =	vadd.f32 v19, v8;
	v9 =	vld [tilespmem:s28+$0x10];
	[tilespmem:s26+$0x20] =	vst v11  }
0xc1: {  	s31 =	simm.s32 $0x52A0;
	[tilespmem:s22+$0x30] =	vst v7;
	v5 =	vpop (erf);
	v8 =	vld [tilespmem:s24+$0x30]  }
0xc2: {  	s30 =	simm.s32 $0xC0;
	s29 =	simm.s32 $0x29C0;
	[tilespmem:s22+$0xFFFFFFD0] =	vst v13;
	v13 =	vadd.f32 v10, v20;
	s28 =	simm.s32 $0x4;
	v12 =	vmul.f32 v5, v14;
	v7 =	vpop (erf);
	v11 =	vadd.f32 v18, v17;
	v10 =	vld [tilespmem:s25+$0x30]  }
.LBB2_3:
0xc3: {  	v14 =	vld [tilespmem:s31+$0x10];
	s23 =	sadd.s32 $0x40, s23;
	v15 =	vpop (erf);
	v2 =	vadd.f32 v6, v2  }
0xc4: {  	v6 =	vld [tilespmem:s23+$0x10];
	v11 =	vmul.f32 v15, v11;
	[tilespmem:s26+$0xFFFFFFE0] =	vst v12;
	v12 =	vmul.f32 v7, v13  }
0xc5: {  	s28 =	sadd.s32 $0x4, s28;
	v13 =	vld [tilespmem:s23+$0xFFFFFFE0];
	v2 =	vmul.f32 v2, v0;
	v4 =	vadd.f32 v9, v4;
	v0 =	vmov v5  }
0xc6: {  	p1 =	slt.u32 s28, $0x144;
	v5 =	vld [tilespmem:s31+$0xFFFFFFF0];
	[tilespmem:s26+$0xFFFFFFC0] =	vst v11  }
0xc7: {  	v9 =	vld [tilespmem:s23+$0xFFFFFFF0];
	[tilespmem:s26+$0x0] =	vst v12;
	v8 =	vadd.f32 v10, v8;
	v4 =	vmul.f32 v4, v1;
	v1 =	vmov v7  }
0xc8: {  	v7 =	vld [tilespmem:s31+$0x0];
	[tilespmem:s22+$0xFFFFFFF0] =	vst v2  }
0xc9: {  	v10 =	vld [tilespmem:s23+$0x0];
	v2 =	vadd.f32 v6, v14;
	v3 =	vmul.f32 v8, v3;
	[tilespmem:s22+$0x10] =	vst v4;
	s22 =	smov.u32 s26  }
0xca: {  	v4 =	vld [tilespmem:s31+$0xFFFFFFE0]  }
0xcb: {  	v2 =	vmax.f32 v2, $1.000000000e+00;
	v6 =	vld [tilespmem:s24+$0xFFFFFFD0];
	[tilespmem:s26+$0x30] =	vst v3  }
0xcc: {  	v3 =	vadd.f32 v9, v5;
	(erf) = vrcp.f32 v2;
	v5 =	vld [tilespmem:s25+$0xFFFFFFD0]  }
0xcd: {  	s24 =	sadd.s32 $0x80, s24;
	v2 =	vld [tilespmem:s30+$0xFFFFFFF0]  }
0xce: {  	s25 =	sadd.s32 $0x80, s25;
	v3 =	vmax.f32 v3, $1.000000000e+00;
	v7 =	vadd.f32 v10, v7;
	v8 =	vld [tilespmem:s24+$0x20]  }
0xcf: {  	v4 =	vadd.f32 v13, v4;
	v9 =	vld [tilespmem:s25+$0x20];
	(erf) = vrcp.f32 v3  }
0xd0: {  	v10 =	vld [tilespmem:s24+$0xFFFFFFC0];
	v3 =	vmax.f32 v7, $1.000000000e+00  }
0xd1: {  	v4 =	vmax.f32 v4, $1.000000000e+00;
	v7 =	vld [tilespmem:s25+$0xFFFFFFC0];
	(erf) = vrcp.f32 v3;
	v3 =	vadd.f32 v5, v6  }
0xd2: {  	v5 =	vld [tilespmem:s24+$0xFFFFFFE0];
	(erf) = vrcp.f32 v4  }
0xd3: {  	v12 =	vld [tilespmem:s25+$0xFFFFFFE0];
	v4 =	vmul.f32 v3, v15  }
0xd4: {  	v13 =	vld [tilespmem:s24+$0x0];
	v6 =	vadd.f32 v9, v8  }
0xd5: {  	v14 =	vld [tilespmem:s25+$0x0];
	v3 =	vpop (erf);
	[tilespmem:s26+$0xFFFFFFD0] =	vst v4  }
.Ltmp5:
0xd6: {  	v11 =	vadd.f32 v7, v10;
	v7 =	vmul.f32 v3, v6;
	v6 =	vld [tilespmem:s29+$0xFFFFFFF0];
	(pc) =	sbr.rel @p1 .LBB2_3-.Ltmp5, $4  }
0xd7: {  	s26 =	sadd.s32 $0x80, s26;
	v4 =	vld [tilespmem:s30+$0x10];
	s30 =	smov.u32 s24  }
0xd8: {  	v10 =	vadd.f32 v12, v5;
	[tilespmem:s26+$0x20] =	vst v7;
	v5 =	vpop (erf);
	v9 =	vld [tilespmem:s29+$0x10];
	s29 =	smov.u32 s25  }
0xd9: {  	v8 =	vld [tilespmem:s24+$0x30]  }
0xda: {  	s31 =	sadd.s32 $0x40, s31;
	v12 =	vmul.f32 v5, v10;
	v13 =	vadd.f32 v14, v13;
	v10 =	vld [tilespmem:s25+$0x30];
	v7 =	vpop (erf)  }
0xdb: {  	v14 =	vpop (erf)  }
0xdc: {  	v11 =	vmul.f32 v14, v11;
	[tilespmem:s26+$0xFFFFFFE0] =	vst v12  }
0xdd: {  	v15 =	vld [tilespmem:s30+$0xFFFFFFF0]  }
0xde: {  	v52 =	vmul.f32 v7, v13;
	v54 =	vld [tilespmem:s29+$0xFFFFFFF0];
	[tilespmem:s26+$0xFFFFFFC0] =	vst v11  }
0xdf: {  	v11 =	vld [tilespmem:s24+$0xFFFFFFD0]  }
0xe0: {  	[tilespmem:s26+$0x0] =	vst v52;
	v53 =	vld [tilespmem:s25+$0xFFFFFFD0]  }
0xe1: {  	v16 =	vld [tilespmem:s30+$0x10]  }
0xe2: {  	v2 =	vadd.f32 v6, v2;
	v55 =	vld [tilespmem:s29+$0x10]  }
0xe3: {  	v4 =	vadd.f32 v9, v4  }
0xe4: {  	v0 =	vmul.f32 v2, v0;
	v56 =	vadd.f32 v10, v8  }
0xe5: {  	v1 =	vmul.f32 v4, v1;
	v59 =	vadd.f32 v54, v15  }
0xe6: {  	[tilespmem:s22+$0xFFFFFFF0] =	vst v0;
	v58 =	vmul.f32 v56, v3;
	v57 =	vadd.f32 v53, v11  }
0xe7: {  	[tilespmem:s22+$0x10] =	vst v1;
	v61 =	vadd.f32 v55, v16;
	v62 =	vmul.f32 v59, v5  }
0xe8: {  	[tilespmem:s26+$0x30] =	vst v58;
	v60 =	vmul.f32 v57, v14  }
0xe9: {  	v63 =	vmul.f32 v61, v7;
	[tilespmem:s26+$0xFFFFFFF0] =	vst v62  }
0xea: {  	[tilespmem:s26+$0xFFFFFFD0] =	vst v60  }
.Ltmp6:
0xeb: {  	[tilespmem:s26+$0x10] =	vst v63;
	(pc) =	sbr.rel .LBB2_8-.Ltmp6, $4  }
0xec: {  	[hbm4b:s2+s3] =	stream.linear.scatter [tilespmem:s19], [sflag:$0x3], $0x2900, $0x38;
	[tilespmem:$0xA400] =	vst v63  }
0xed: {  	_ =	swait.ge [sflag:s20], $0x2900  }
0xee: {  	[sflag:s20] =	ssyncset.done $0x0  }
0xef: {  	[sflag:s20] =	ssyncadd.s32 $0xFFFFD700  }
.LBB2_9:
0xf0: {  	_ =	sfence.sel $0x180000  }
0xf1: {  	[bflag:$0x0] =	sbarrier.arrive $0xFFFF  }
0xf2: {  	p0 =	sne.s32 s1, $0x0;
	_ =	strace $0x9000004A  }
0xf3: {  	s0 =	sadd.s32 @!p0 $0x100000, s0;
	[bflag:$0x2] =	sbarrier.arrive $0xFFFF  }
0xf4: {  	[sflag:s0] =	ssyncadd.tile.s32 @!p0 $0x1;
	_ =	shalt  }
.Lfunc_end2:
_tile_overlayer_lowered:
.L_overlay_start_2:
0xf5: {  	(tag) =	ssettag $0x2  }
0xf6: {  	s0 =	rddreg [dreg:$0x0];
	s2 =	stileid.u32  }
0xf7: {  	s1 =	rddreg [dreg:$0x1];
	p0 =	sne.s32 s2, $0x0  }
0xf8: {  	s3 =	rddreg [dreg:$0x2];
	[bflag:$0x3] =	sbarrier.arrive $0xFFFF;
	s2 =	simm.s32 @!p0 $0x1C03  }
0xf9: {  	[timem:s3], [sflag:s2] =	dma.local @!p0 [hbm:s0], s1  }
0xfa: {  	s0 =	simm.s32 @!p0 $0x3  }
0xfb: {  	_ =	swait.ge @!p0 [sflag:s0], s1  }
0xfc: {  	s1 =	ssub.s32 @!p0 $0x0, s1;
	[sflag:s0] =	ssyncset.done @!p0 $0x0  }
0xfd: {  	[sflag:s0] =	ssyncadd.s32 @!p0 s1  }
0xfe: {  	[bflag:$0x3] =	sbarrier.arrive $0xFFFF  }
0xff: {  	_ =	shalt  }

</sc_bundles>
